<compile_context>
chip_gen: v7x
topology: tpu7x:2x2x1
jax: 0.10.2.dev20260603
libtpu: 0.0.44.dev20260713+nightly
codegen_flags: <defaults>
</compile_context>

<pallas_src>
import math

import jax
import jax.numpy as jnp
from jax import lax
from jax.experimental import pallas as pl
from jax.experimental.pallas import tpu as pltpu
from jax.experimental.pallas import tpu_sc as plsc

HID = 2048
KS = 64
TK = 4
NSLOTS = 100000
T = 2048
TBLK = 512
SBLK = 2048
NKB = (NSLOTS + SBLK - 1) // SBLK
PADS = NKB * SBLK

NW = 32
TPW = T // NW
CTOK = 4
NCH = TPW // CTOK


def _topk_body(scale_ref, x_ref, wkt_ref, keys_ref, w_out, i_out, q_s):
    kb = pl.program_id(1)

    @pl.when(kb == 0)
    def _init():
        q_s[...] = jnp.dot(x_ref[...], wkt_ref[...],
                           preferred_element_type=jnp.float32)
        w_out[...] = jnp.full((TBLK, 128), -jnp.inf, jnp.float32)
        i_out[...] = jnp.zeros((TBLK, 128), jnp.float32)

    s = lax.dot_general(q_s[...], keys_ref[...], (((1,), (1,)), ((), ())),
                        preferred_element_type=jnp.float32)
    s = s * (1.0 / math.sqrt(KS))
    col = lax.broadcasted_iota(jnp.int32, (TBLK, SBLK), 1) + kb * SBLK
    s = jnp.where(col < NSLOTS, s, -jnp.inf)

    colf = col.astype(jnp.float32)
    aug_v = jnp.concatenate([s, w_out[...]], axis=1)
    aug_i = jnp.concatenate([colf, i_out[...]], axis=1)
    nv, ni = [], []
    for _ in range(TK):
        m = jnp.max(aug_v, axis=1, keepdims=True)
        hit = aug_v == m
        sel = jnp.min(jnp.where(hit, aug_i, jnp.float32(3.0e7)),
                      axis=1, keepdims=True)
        nv.append(m)
        ni.append(sel)
        aug_v = jnp.where(aug_i == sel, -jnp.inf, aug_v)
    pad_v = jnp.full((TBLK, 128 - TK), -jnp.inf, jnp.float32)
    pad_i = jnp.zeros((TBLK, 128 - TK), jnp.float32)
    w_out[...] = jnp.concatenate(nv + [pad_v], axis=1)
    i_out[...] = jnp.concatenate(ni + [pad_i], axis=1)

    @pl.when(kb == NKB - 1)
    def _finish():
        v = w_out[...]
        m = jnp.max(v, axis=1, keepdims=True)
        e = jnp.exp(v - m)
        w_out[...] = e / jnp.sum(e, axis=1, keepdims=True) * scale_ref[0]


def _topk_weights(scale1, x2d, wktT, keys_pad):
    return pl.pallas_call(
        _topk_body,
        grid=(T // TBLK, NKB),
        in_specs=[
            pl.BlockSpec(memory_space=pltpu.SMEM),
            pl.BlockSpec((TBLK, HID), lambda tb, kb: (tb, 0)),
            pl.BlockSpec((HID, KS), lambda tb, kb: (0, 0)),
            pl.BlockSpec((SBLK, KS), lambda tb, kb: (kb, 0)),
        ],
        out_specs=[
            pl.BlockSpec((TBLK, 128), lambda tb, kb: (tb, 0)),
            pl.BlockSpec((TBLK, 128), lambda tb, kb: (tb, 0)),
        ],
        out_shape=[
            jax.ShapeDtypeStruct((T, 128), jnp.float32),
            jax.ShapeDtypeStruct((T, 128), jnp.float32),
        ],
        scratch_shapes=[pltpu.VMEM((TBLK, KS), jnp.float32)],
        compiler_params=pltpu.CompilerParams(
            dimension_semantics=("arbitrary", "arbitrary")),
    )(scale1, x2d, wktT, keys_pad)


def _gather_body(vals_hbm, x_hbm, idx_hbm, w_hbm, out_hbm,
                 idx0_v, idx1_v, w_v, rows0_v, rows1_v, x_v, sem0, sem1):
    cid = lax.axis_index("c")
    sid = lax.axis_index("s")
    wid = sid * 2 + cid
    tbase = wid * TPW

    def start_gather(c, idx_v, rows_v, sem):
        pltpu.sync_copy(idx_hbm.at[pl.ds((tbase + c * CTOK) * TK, CTOK * TK)],
                        idx_v)
        pltpu.async_copy(vals_hbm.at[idx_v], rows_v, sem)

    def compute_chunk(c, idx_v, rows_v, sem):
        tok0 = tbase + c * CTOK
        pltpu.sync_copy(w_hbm.at[pl.ds(tok0 * TK, CTOK * TK)], w_v)
        pltpu.sync_copy(x_hbm.at[pl.ds(tok0, CTOK)], x_v)
        pltpu.make_async_copy(vals_hbm.at[idx_v], rows_v, sem).wait()
        wb = [[w_v[t * TK + j, :] for j in range(TK)] for t in range(CTOK)]

        def dbody(dd, _):
            sl = pl.ds(dd * 16, 16)
            for t in range(CTOK):
                a0 = wb[t][0] * rows_v[t * TK + 0, sl] \
                    + wb[t][1] * rows_v[t * TK + 1, sl]
                a1 = wb[t][2] * rows_v[t * TK + 2, sl] \
                    + wb[t][3] * rows_v[t * TK + 3, sl]
                x_v[t, sl] = x_v[t, sl] + (a0 + a1)
            return 0

        lax.fori_loop(0, HID // 16, dbody, 0, unroll=2)
        pltpu.sync_copy(x_v, out_hbm.at[pl.ds(tok0, CTOK)])

    start_gather(0, idx0_v, rows0_v, sem0)

    def pair(cp, carry):
        c0 = cp * 2
        start_gather(c0 + 1, idx1_v, rows1_v, sem1)
        compute_chunk(c0, idx0_v, rows0_v, sem0)

        @pl.when(cp + 1 < NCH // 2)
        def _():
            start_gather(c0 + 2, idx0_v, rows0_v, sem0)

        compute_chunk(c0 + 1, idx1_v, rows1_v, sem1)
        return carry

    lax.fori_loop(0, NCH // 2, pair, 0)


def _gather_combine(values_p, x2d, idx_flat, w_flat):
    mesh = plsc.VectorSubcoreMesh(core_axis_name="c", subcore_axis_name="s")
    f = pl.kernel(
        _gather_body,
        mesh=mesh,
        out_type=jax.ShapeDtypeStruct((T, HID), jnp.float32),
        scratch_types=[
            pltpu.VMEM((CTOK * TK,), jnp.int32),
            pltpu.VMEM((CTOK * TK,), jnp.int32),
            pltpu.VMEM((CTOK * TK, 16), jnp.float32),
            pltpu.VMEM((CTOK * TK, HID), jnp.float32),
            pltpu.VMEM((CTOK * TK, HID), jnp.float32),
            pltpu.VMEM((CTOK, HID), jnp.float32),
            pltpu.SemaphoreType.DMA,
            pltpu.SemaphoreType.DMA,
        ],
    )
    return f(values_p, x2d, idx_flat, w_flat)


def kernel(x, keys_p, values_p, W_key, scale):
    x2d = x.reshape(T, HID)
    wktT = W_key.T
    keys_pad = jnp.pad(keys_p, ((0, PADS - NSLOTS), (0, 0)))
    scale1 = scale.reshape(1)
    w128, i128 = _topk_weights(scale1, x2d, wktT, keys_pad)
    w_bcast = jnp.broadcast_to(w128[:, :TK].reshape(-1)[:, None], (T * TK, 16))
    idx_flat = i128[:, :TK].reshape(-1).astype(jnp.int32)
    out = _gather_combine(values_p, x2d, idx_flat, w_bcast)
    return out.reshape(1, T, HID)

# --- scband reference (transcript-rebuilt; emitter-appended) ---
"""Pipeline reference for scband-kvmemory-adapter-50431505989827 (READ-ONLY COPY).

The authoritative reference and input builder live on the scoring server;
editing this copy changes nothing except your own understanding.
"""

import jax, jax.numpy as jnp
import numpy as np
import math

HIDDEN = 2048
SLOTS = 100000
KEY_SIZE = 64
TOPK = 4

def setup_inputs(seed: int = 0) -> dict:
    key = jax.random.key(seed)
    k1, k2, k3, k4 = jax.random.split(key, 4)
    x = jax.random.normal(k1, (1, 2048, HIDDEN), dtype=jnp.float32)
    keys_p = jax.random.normal(k2, (SLOTS, KEY_SIZE), dtype=jnp.float32) * 0.01
    # torch init is zeros; use small random values so retrieval is non-degenerate
    values_p = jax.random.normal(k3, (SLOTS, HIDDEN), dtype=jnp.float32) * 0.02
    W_key = jax.random.normal(k4, (KEY_SIZE, HIDDEN), dtype=jnp.float32) * (1.0 / math.sqrt(HIDDEN))
    scale = jnp.asarray(0.01, dtype=jnp.float32)
    return {"x": x, "keys_p": keys_p, "values_p": values_p, "W_key": W_key, "scale": scale}

def reference(x, keys_p, values_p, W_key, scale):
    # q = key_proj(x)  (Linear, no bias)
    q = jnp.matmul(x, W_key.T)
    # similarity against all memory keys
    sim = jnp.matmul(q, keys_p.T) / math.sqrt(KEY_SIZE)
    # top-k slot selection
    topk_vals, topk_idx = jax.lax.top_k(sim, TOPK)
    weights = jax.nn.softmax(topk_vals, axis=-1)
    # gather selected values: [B, S, TOPK, HIDDEN]
    selected_values = jnp.take(values_p, topk_idx, axis=0)
    retrieved = jnp.sum(weights[..., None] * selected_values, axis=-2)
    return x + scale * retrieved

if __name__ == "__main__":
    import jax
    _d = setup_inputs()
    print(jax.jit(kernel)(*tuple(_d.values())))

</pallas_src>

<mosaic_0001>
#map = affine_map<(d0, d1) -> (0, 0)>
#map1 = affine_map<(d0, d1) -> (0)>
module attributes {stable_mosaic.version = 14 : i64} {
  func.func @_gather_body(%arg0: i32, %arg1: i32, %arg2: memref<100000x2048xf32, #tpu.memory_space<hbm>>, %arg3: memref<2048x2048xf32, #tpu.memory_space<hbm>>, %arg4: memref<8192xi32, #tpu.memory_space<hbm>>, %arg5: memref<8192x16xf32, #tpu.memory_space<hbm>>, %arg6: memref<2048x2048xf32, #tpu.memory_space<hbm>>, %arg7: memref<16xi32, #tpu.memory_space<vmem>>, %arg8: memref<16xi32, #tpu.memory_space<vmem>>, %arg9: memref<16x16xf32, #tpu.memory_space<vmem>>, %arg10: memref<16x2048xf32, #tpu.memory_space<vmem>>, %arg11: memref<16x2048xf32, #tpu.memory_space<vmem>>, %arg12: memref<4x2048xf32, #tpu.memory_space<vmem>>, %arg13: memref<!tpu.dma_semaphore, #tpu.memory_space<semaphore_mem>>, %arg14: memref<!tpu.dma_semaphore, #tpu.memory_space<semaphore_mem>>) attributes {dimension_semantics = [#tpu.dimension_semantics<core_parallel>, #tpu.dimension_semantics<subcore_parallel>], iteration_bounds = array<i64: 2, 16>, scalar_prefetch = 0 : i64, scratch_operands = 8 : i64, tpu.core_type = #tpu.core_type<sc_vector_subcore>, window_params = [{transform_indices = #map}, {transform_indices = #map}, {transform_indices = #map1}, {transform_indices = #map}, {transform_indices = #map}]} {
    %mul3A = arith.constant 2 : i32
    %mul3A_0 = arith.muli %arg1, %mul3A : i32
    %add3A = arith.addi %mul3A_0, %arg0 : i32
    %mul3A_1 = arith.constant 64 : i32
    %mul3A_2 = arith.muli %add3A, %mul3A_1 : i32
    %add3A_3 = arith.constant 0 : i32
    %add3A_4 = arith.addi %mul3A_2, %add3A_3 : i32
    %mul3A_5 = arith.constant 4 : i32
    %mul3A_6 = arith.muli %add3A_4, %mul3A_5 : i32
    "tpu.region"() ({
      %run_scoped3A = tpu.sem_alloc : memref<!tpu.dma_semaphore, #tpu.memory_space<semaphore_mem>>
      %dma_start3A_14 = tpu.memref_slice %arg4[%mul3A_6] : memref<8192xi32, #tpu.memory_space<hbm>> -> memref<16xi32, #tpu.memory_space<hbm>>
      %dma_start3A_15 = tpu.memref_slice %arg4[%mul3A_6] : memref<8192xi32, #tpu.memory_space<hbm>> -> memref<16xi32, #tpu.memory_space<hbm>>
      tpu.enqueue_dma source(%dma_start3A_15 : memref<16xi32, #tpu.memory_space<hbm>>) target(%arg7 : memref<16xi32, #tpu.memory_space<vmem>>) target_semaphore(%run_scoped3A : memref<!tpu.dma_semaphore, #tpu.memory_space<semaphore_mem>>)
      %dma_wait3A = tpu.memref_slice %arg4[%mul3A_6] : memref<8192xi32, #tpu.memory_space<hbm>> -> memref<16xi32, #tpu.memory_space<hbm>>
      %dma_wait3A_16 = tpu.memref_slice %arg4[%mul3A_6] : memref<8192xi32, #tpu.memory_space<hbm>> -> memref<16xi32, #tpu.memory_space<hbm>>
      tpu.wait_dma2 semaphore(%run_scoped3A : memref<!tpu.dma_semaphore, #tpu.memory_space<semaphore_mem>>) src(%dma_wait3A_16 : memref<16xi32, #tpu.memory_space<hbm>>) dst(%arg7 : memref<16xi32, #tpu.memory_space<vmem>>)
      tpu.yield
    }) : () -> ()
    %dma_start3A = arith.constant 0 : i32
    %dma_start3A_7 = arith.constant 0 : i32
    %dma_start3A_8 = tpu.memref_slice %arg2[%dma_start3A, %dma_start3A_7] : memref<100000x2048xf32, #tpu.memory_space<hbm>> -> memref<100000x2048xf32, #tpu.memory_space<hbm>>
    tpu.enqueue_indirect_dma source(%dma_start3A_8 : memref<100000x2048xf32, #tpu.memory_space<hbm>>) target(%arg10 : memref<16x2048xf32, #tpu.memory_space<vmem>>) offsets(%arg7 : memref<16xi32, #tpu.memory_space<vmem>>) semaphore(%arg13 : memref<!tpu.dma_semaphore, #tpu.memory_space<semaphore_mem>>)
    %scan3A = arith.constant 0 : i32
    %scan3A_9 = arith.constant 0 : i32
    %scan3A_10 = arith.constant 8 : i32
    %scan3A_11 = arith.addi %scan3A_9, %scan3A_10 : i32
    %scan3A_12 = arith.constant 1 : i32
    scf.for %scan3A_14 = %scan3A_9 to %scan3A_11 step %scan3A_12  : i32 {
      %mul3A_15 = arith.constant 2 : i32
      %mul3A_16 = arith.muli %scan3A_14, %mul3A_15 : i32
      %add3A_17 = arith.constant 1 : i32
      %add3A_18 = arith.addi %mul3A_16, %add3A_17 : i32
      %mul3A_19 = arith.constant 4 : i32
      %mul3A_20 = arith.muli %add3A_18, %mul3A_19 : i32
      %add3A_21 = arith.addi %mul3A_2, %mul3A_20 : i32
      %mul3A_22 = arith.constant 4 : i32
      %mul3A_23 = arith.muli %add3A_21, %mul3A_22 : i32
      "tpu.region"() ({
        %run_scoped3A = tpu.sem_alloc : memref<!tpu.dma_semaphore, #tpu.memory_space<semaphore_mem>>
        %dma_start3A_221 = tpu.memref_slice %arg4[%mul3A_23] : memref<8192xi32, #tpu.memory_space<hbm>> -> memref<16xi32, #tpu.memory_space<hbm>>
        %dma_start3A_222 = tpu.memref_slice %arg4[%mul3A_23] : memref<8192xi32, #tpu.memory_space<hbm>> -> memref<16xi32, #tpu.memory_space<hbm>>
        tpu.enqueue_dma source(%dma_start3A_222 : memref<16xi32, #tpu.memory_space<hbm>>) target(%arg8 : memref<16xi32, #tpu.memory_space<vmem>>) target_semaphore(%run_scoped3A : memref<!tpu.dma_semaphore, #tpu.memory_space<semaphore_mem>>)
        %dma_wait3A_223 = tpu.memref_slice %arg4[%mul3A_23] : memref<8192xi32, #tpu.memory_space<hbm>> -> memref<16xi32, #tpu.memory_space<hbm>>
        %dma_wait3A_224 = tpu.memref_slice %arg4[%mul3A_23] : memref<8192xi32, #tpu.memory_space<hbm>> -> memref<16xi32, #tpu.memory_space<hbm>>
        tpu.wait_dma2 semaphore(%run_scoped3A : memref<!tpu.dma_semaphore, #tpu.memory_space<semaphore_mem>>) src(%dma_wait3A_224 : memref<16xi32, #tpu.memory_space<hbm>>) dst(%arg8 : memref<16xi32, #tpu.memory_space<vmem>>)
        tpu.yield
      }) : () -> ()
      %dma_start3A_24 = arith.constant 0 : i32
      %dma_start3A_25 = arith.constant 0 : i32
      %dma_start3A_26 = tpu.memref_slice %arg2[%dma_start3A_24, %dma_start3A_25] : memref<100000x2048xf32, #tpu.memory_space<hbm>> -> memref<100000x2048xf32, #tpu.memory_space<hbm>>
      tpu.enqueue_indirect_dma source(%dma_start3A_26 : memref<100000x2048xf32, #tpu.memory_space<hbm>>) target(%arg11 : memref<16x2048xf32, #tpu.memory_space<vmem>>) offsets(%arg8 : memref<16xi32, #tpu.memory_space<vmem>>) semaphore(%arg14 : memref<!tpu.dma_semaphore, #tpu.memory_space<semaphore_mem>>)
      %mul3A_27 = arith.constant 4 : i32
      %mul3A_28 = arith.muli %mul3A_16, %mul3A_27 : i32
      %add3A_29 = arith.addi %mul3A_2, %mul3A_28 : i32
      %mul3A_30 = arith.constant 4 : i32
      %mul3A_31 = arith.muli %add3A_29, %mul3A_30 : i32
      "tpu.region"() ({
        %run_scoped3A = tpu.sem_alloc : memref<!tpu.dma_semaphore, #tpu.memory_space<semaphore_mem>>
        %dma_start3A_221 = arith.constant 0 : i32
        %dma_start3A_222 = tpu.memref_slice %arg5[%mul3A_31, %dma_start3A_221] : memref<8192x16xf32, #tpu.memory_space<hbm>> -> memref<16x16xf32, #tpu.memory_space<hbm>>
        %dma_start3A_223 = arith.constant 0 : i32
        %dma_start3A_224 = tpu.memref_slice %arg5[%mul3A_31, %dma_start3A_223] : memref<8192x16xf32, #tpu.memory_space<hbm>> -> memref<16x16xf32, #tpu.memory_space<hbm>>
        tpu.enqueue_dma source(%dma_start3A_224 : memref<16x16xf32, #tpu.memory_space<hbm>>) target(%arg9 : memref<16x16xf32, #tpu.memory_space<vmem>>) target_semaphore(%run_scoped3A : memref<!tpu.dma_semaphore, #tpu.memory_space<semaphore_mem>>)
        %dma_wait3A_225 = arith.constant 0 : i32
        %dma_wait3A_226 = tpu.memref_slice %arg5[%mul3A_31, %dma_wait3A_225] : memref<8192x16xf32, #tpu.memory_space<hbm>> -> memref<16x16xf32, #tpu.memory_space<hbm>>
        %dma_wait3A_227 = arith.constant 0 : i32
        %dma_wait3A_228 = tpu.memref_slice %arg5[%mul3A_31, %dma_wait3A_227] : memref<8192x16xf32, #tpu.memory_space<hbm>> -> memref<16x16xf32, #tpu.memory_space<hbm>>
        tpu.wait_dma2 semaphore(%run_scoped3A : memref<!tpu.dma_semaphore, #tpu.memory_space<semaphore_mem>>) src(%dma_wait3A_228 : memref<16x16xf32, #tpu.memory_space<hbm>>) dst(%arg9 : memref<16x16xf32, #tpu.memory_space<vmem>>)
        tpu.yield
      }) : () -> ()
      "tpu.region"() ({
        %run_scoped3A = tpu.sem_alloc : memref<!tpu.dma_semaphore, #tpu.memory_space<semaphore_mem>>
        %dma_start3A_221 = arith.constant 0 : i32
        %dma_start3A_222 = tpu.memref_slice %arg3[%add3A_29, %dma_start3A_221] : memref<2048x2048xf32, #tpu.memory_space<hbm>> -> memref<4x2048xf32, #tpu.memory_space<hbm>>
        %dma_start3A_223 = arith.constant 0 : i32
        %dma_start3A_224 = tpu.memref_slice %arg3[%add3A_29, %dma_start3A_223] : memref<2048x2048xf32, #tpu.memory_space<hbm>> -> memref<4x2048xf32, #tpu.memory_space<hbm>>
        tpu.enqueue_dma source(%dma_start3A_224 : memref<4x2048xf32, #tpu.memory_space<hbm>>) target(%arg12 : memref<4x2048xf32, #tpu.memory_space<vmem>>) target_semaphore(%run_scoped3A : memref<!tpu.dma_semaphore, #tpu.memory_space<semaphore_mem>>)
        %dma_wait3A_225 = arith.constant 0 : i32
        %dma_wait3A_226 = tpu.memref_slice %arg3[%add3A_29, %dma_wait3A_225] : memref<2048x2048xf32, #tpu.memory_space<hbm>> -> memref<4x2048xf32, #tpu.memory_space<hbm>>
        %dma_wait3A_227 = arith.constant 0 : i32
        %dma_wait3A_228 = tpu.memref_slice %arg3[%add3A_29, %dma_wait3A_227] : memref<2048x2048xf32, #tpu.memory_space<hbm>> -> memref<4x2048xf32, #tpu.memory_space<hbm>>
        tpu.wait_dma2 semaphore(%run_scoped3A : memref<!tpu.dma_semaphore, #tpu.memory_space<semaphore_mem>>) src(%dma_wait3A_228 : memref<4x2048xf32, #tpu.memory_space<hbm>>) dst(%arg12 : memref<4x2048xf32, #tpu.memory_space<vmem>>)
        tpu.yield
      }) : () -> ()
      %dma_wait3A = arith.constant 0 : i32
      %dma_wait3A_32 = arith.constant 0 : i32
      %dma_wait3A_33 = tpu.memref_slice %arg2[%dma_wait3A, %dma_wait3A_32] : memref<100000x2048xf32, #tpu.memory_space<hbm>> -> memref<100000x2048xf32, #tpu.memory_space<hbm>>
      tpu.wait_indirect_dma semaphore(%arg13 : memref<!tpu.dma_semaphore, #tpu.memory_space<semaphore_mem>>) src(%dma_wait3A_33 : memref<100000x2048xf32, #tpu.memory_space<hbm>>) dst(%arg10 : memref<16x2048xf32, #tpu.memory_space<vmem>>)
      %get3A = arith.constant 0 : i32
      %get3A_34 = arith.index_cast %get3A : i32 to index
      %get3A_35 = arith.constant 0 : index
      %get3A_36 = tpu.vector_load %arg9[%get3A_34, %get3A_35] {strides = array<i32>} : memref<16x16xf32, #tpu.memory_space<vmem>>, vector<1x16xf32>,
      %get3A_37 = vector.shape_cast %get3A_36 : vector<1x16xf32> to vector<16xf32>
      %get3A_38 = arith.constant 1 : i32
      %get3A_39 = arith.index_cast %get3A_38 : i32 to index
      %get3A_40 = arith.constant 0 : index
      %get3A_41 = tpu.vector_load %arg9[%get3A_39, %get3A_40] {strides = array<i32>} : memref<16x16xf32, #tpu.memory_space<vmem>>, vector<1x16xf32>,
      %get3A_42 = vector.shape_cast %get3A_41 : vector<1x16xf32> to vector<16xf32>
      %get3A_43 = arith.constant 2 : i32
      %get3A_44 = arith.index_cast %get3A_43 : i32 to index
      %get3A_45 = arith.constant 0 : index
      %get3A_46 = tpu.vector_load %arg9[%get3A_44, %get3A_45] {strides = array<i32>} : memref<16x16xf32, #tpu.memory_space<vmem>>, vector<1x16xf32>,
      %get3A_47 = vector.shape_cast %get3A_46 : vector<1x16xf32> to vector<16xf32>
      %get3A_48 = arith.constant 3 : i32
      %get3A_49 = arith.index_cast %get3A_48 : i32 to index
      %get3A_50 = arith.constant 0 : index
      %get3A_51 = tpu.vector_load %arg9[%get3A_49, %get3A_50] {strides = array<i32>} : memref<16x16xf32, #tpu.memory_space<vmem>>, vector<1x16xf32>,
      %get3A_52 = vector.shape_cast %get3A_51 : vector<1x16xf32> to vector<16xf32>
      %get3A_53 = arith.constant 4 : i32
      %get3A_54 = arith.index_cast %get3A_53 : i32 to index
      %get3A_55 = arith.constant 0 : index
      %get3A_56 = tpu.vector_load %arg9[%get3A_54, %get3A_55] {strides = array<i32>} : memref<16x16xf32, #tpu.memory_space<vmem>>, vector<1x16xf32>,
      %get3A_57 = vector.shape_cast %get3A_56 : vector<1x16xf32> to vector<16xf32>
      %get3A_58 = arith.constant 5 : i32
      %get3A_59 = arith.index_cast %get3A_58 : i32 to index
      %get3A_60 = arith.constant 0 : index
      %get3A_61 = tpu.vector_load %arg9[%get3A_59, %get3A_60] {strides = array<i32>} : memref<16x16xf32, #tpu.memory_space<vmem>>, vector<1x16xf32>,
      %get3A_62 = vector.shape_cast %get3A_61 : vector<1x16xf32> to vector<16xf32>
      %get3A_63 = arith.constant 6 : i32
      %get3A_64 = arith.index_cast %get3A_63 : i32 to index
      %get3A_65 = arith.constant 0 : index
      %get3A_66 = tpu.vector_load %arg9[%get3A_64, %get3A_65] {strides = array<i32>} : memref<16x16xf32, #tpu.memory_space<vmem>>, vector<1x16xf32>,
      %get3A_67 = vector.shape_cast %get3A_66 : vector<1x16xf32> to vector<16xf32>
      %get3A_68 = arith.constant 7 : i32
      %get3A_69 = arith.index_cast %get3A_68 : i32 to index
      %get3A_70 = arith.constant 0 : index
      %get3A_71 = tpu.vector_load %arg9[%get3A_69, %get3A_70] {strides = array<i32>} : memref<16x16xf32, #tpu.memory_space<vmem>>, vector<1x16xf32>,
      %get3A_72 = vector.shape_cast %get3A_71 : vector<1x16xf32> to vector<16xf32>
      %get3A_73 = arith.constant 8 : i32
      %get3A_74 = arith.index_cast %get3A_73 : i32 to index
      %get3A_75 = arith.constant 0 : index
      %get3A_76 = tpu.vector_load %arg9[%get3A_74, %get3A_75] {strides = array<i32>} : memref<16x16xf32, #tpu.memory_space<vmem>>, vector<1x16xf32>,
      %get3A_77 = vector.shape_cast %get3A_76 : vector<1x16xf32> to vector<16xf32>
      %get3A_78 = arith.constant 9 : i32
      %get3A_79 = arith.index_cast %get3A_78 : i32 to index
      %get3A_80 = arith.constant 0 : index
      %get3A_81 = tpu.vector_load %arg9[%get3A_79, %get3A_80] {strides = array<i32>} : memref<16x16xf32, #tpu.memory_space<vmem>>, vector<1x16xf32>,
      %get3A_82 = vector.shape_cast %get3A_81 : vector<1x16xf32> to vector<16xf32>
      %get3A_83 = arith.constant 10 : i32
      %get3A_84 = arith.index_cast %get3A_83 : i32 to index
      %get3A_85 = arith.constant 0 : index
      %get3A_86 = tpu.vector_load %arg9[%get3A_84, %get3A_85] {strides = array<i32>} : memref<16x16xf32, #tpu.memory_space<vmem>>, vector<1x16xf32>,
      %get3A_87 = vector.shape_cast %get3A_86 : vector<1x16xf32> to vector<16xf32>
      %get3A_88 = arith.constant 11 : i32
      %get3A_89 = arith.index_cast %get3A_88 : i32 to index
      %get3A_90 = arith.constant 0 : index
      %get3A_91 = tpu.vector_load %arg9[%get3A_89, %get3A_90] {strides = array<i32>} : memref<16x16xf32, #tpu.memory_space<vmem>>, vector<1x16xf32>,
      %get3A_92 = vector.shape_cast %get3A_91 : vector<1x16xf32> to vector<16xf32>
      %get3A_93 = arith.constant 12 : i32
      %get3A_94 = arith.index_cast %get3A_93 : i32 to index
      %get3A_95 = arith.constant 0 : index
      %get3A_96 = tpu.vector_load %arg9[%get3A_94, %get3A_95] {strides = array<i32>} : memref<16x16xf32, #tpu.memory_space<vmem>>, vector<1x16xf32>,
      %get3A_97 = vector.shape_cast %get3A_96 : vector<1x16xf32> to vector<16xf32>
      %get3A_98 = arith.constant 13 : i32
      %get3A_99 = arith.index_cast %get3A_98 : i32 to index
      %get3A_100 = arith.constant 0 : index
      %get3A_101 = tpu.vector_load %arg9[%get3A_99, %get3A_100] {strides = array<i32>} : memref<16x16xf32, #tpu.memory_space<vmem>>, vector<1x16xf32>,
      %get3A_102 = vector.shape_cast %get3A_101 : vector<1x16xf32> to vector<16xf32>
      %get3A_103 = arith.constant 14 : i32
      %get3A_104 = arith.index_cast %get3A_103 : i32 to index
      %get3A_105 = arith.constant 0 : index
      %get3A_106 = tpu.vector_load %arg9[%get3A_104, %get3A_105] {strides = array<i32>} : memref<16x16xf32, #tpu.memory_space<vmem>>, vector<1x16xf32>,
      %get3A_107 = vector.shape_cast %get3A_106 : vector<1x16xf32> to vector<16xf32>
      %get3A_108 = arith.constant 15 : i32
      %get3A_109 = arith.index_cast %get3A_108 : i32 to index
      %get3A_110 = arith.constant 0 : index
      %get3A_111 = tpu.vector_load %arg9[%get3A_109, %get3A_110] {strides = array<i32>} : memref<16x16xf32, #tpu.memory_space<vmem>>, vector<1x16xf32>,
      %get3A_112 = vector.shape_cast %get3A_111 : vector<1x16xf32> to vector<16xf32>
      %scan3A_113 = arith.constant 0 : i32
      %scan3A_114 = arith.constant 0 : i32
      %scan3A_115 = arith.constant 128 : i32
      %scan3A_116 = arith.addi %scan3A_114, %scan3A_115 : i32
      %scan3A_117 = arith.constant 2 : i32
      %scan3A_118 = scf.for %scan3A_221 = %scan3A_114 to %scan3A_116 step %scan3A_117 iter_args(%scan3A_222 = %scan3A_113) -> (i32)  : i32 {
        %mul3A_223 = arith.constant 16 : i32
        %mul3A_224 = arith.muli %scan3A_221, %mul3A_223 : i32
        %get3A_225 = arith.constant 0 : i32
        %get3A_226 = arith.index_cast %get3A_225 : i32 to index
        %get3A_227 = arith.index_cast %mul3A_224 : i32 to index
        %get3A_228 = tpu.vector_load %arg10[%get3A_226, %get3A_227] {strides = array<i32>} : memref<16x2048xf32, #tpu.memory_space<vmem>>, vector<1x16xf32>,
        %get3A_229 = vector.shape_cast %get3A_228 : vector<1x16xf32> to vector<16xf32>
        %mul3A_230 = arith.mulf %get3A_37, %get3A_229 : vector<16xf32>
        %get3A_231 = arith.constant 1 : i32
        %get3A_232 = arith.index_cast %get3A_231 : i32 to index
        %get3A_233 = arith.index_cast %mul3A_224 : i32 to index
        %get3A_234 = tpu.vector_load %arg10[%get3A_232, %get3A_233] {strides = array<i32>} : memref<16x2048xf32, #tpu.memory_space<vmem>>, vector<1x16xf32>,
        %get3A_235 = vector.shape_cast %get3A_234 : vector<1x16xf32> to vector<16xf32>
        %mul3A_236 = arith.mulf %get3A_42, %get3A_235 : vector<16xf32>
        %add3A_237 = arith.addf %mul3A_230, %mul3A_236 : vector<16xf32>
        %get3A_238 = arith.constant 2 : i32
        %get3A_239 = arith.index_cast %get3A_238 : i32 to index
        %get3A_240 = arith.index_cast %mul3A_224 : i32 to index
        %get3A_241 = tpu.vector_load %arg10[%get3A_239, %get3A_240] {strides = array<i32>} : memref<16x2048xf32, #tpu.memory_space<vmem>>, vector<1x16xf32>,
        %get3A_242 = vector.shape_cast %get3A_241 : vector<1x16xf32> to vector<16xf32>
        %mul3A_243 = arith.mulf %get3A_47, %get3A_242 : vector<16xf32>
        %get3A_244 = arith.constant 3 : i32
        %get3A_245 = arith.index_cast %get3A_244 : i32 to index
        %get3A_246 = arith.index_cast %mul3A_224 : i32 to index
        %get3A_247 = tpu.vector_load %arg10[%get3A_245, %get3A_246] {strides = array<i32>} : memref<16x2048xf32, #tpu.memory_space<vmem>>, vector<1x16xf32>,
        %get3A_248 = vector.shape_cast %get3A_247 : vector<1x16xf32> to vector<16xf32>
        %mul3A_249 = arith.mulf %get3A_52, %get3A_248 : vector<16xf32>
        %add3A_250 = arith.addf %mul3A_243, %mul3A_249 : vector<16xf32>
        %get3A_251 = arith.constant 0 : i32
        %get3A_252 = arith.index_cast %get3A_251 : i32 to index
        %get3A_253 = arith.index_cast %mul3A_224 : i32 to index
        %get3A_254 = tpu.vector_load %arg12[%get3A_252, %get3A_253] {strides = array<i32>} : memref<4x2048xf32, #tpu.memory_space<vmem>>, vector<1x16xf32>,
        %get3A_255 = vector.shape_cast %get3A_254 : vector<1x16xf32> to vector<16xf32>
        %add3A_256 = arith.addf %add3A_237, %add3A_250 : vector<16xf32>
        %add3A_257 = arith.addf %get3A_255, %add3A_256 : vector<16xf32>
        %swap3A = arith.constant 0 : i32
        %swap3A_258 = arith.index_cast %swap3A : i32 to index
        %swap3A_259 = arith.index_cast %mul3A_224 : i32 to index
        %swap3A_260 = tpu.vector_load %arg12[%swap3A_258, %swap3A_259] {strides = array<i32>} : memref<4x2048xf32, #tpu.memory_space<vmem>>, vector<1x16xf32>,
        %swap3A_261 = vector.shape_cast %swap3A_260 : vector<1x16xf32> to vector<16xf32>
        %swap3A_262 = vector.shape_cast %add3A_257 : vector<16xf32> to vector<1x16xf32>
        tpu.vector_store %arg12[%swap3A_258, %swap3A_259], %swap3A_262 {strides = array<i32>} : memref<4x2048xf32, #tpu.memory_space<vmem>>, vector<1x16xf32>,
        %get3A_263 = arith.constant 4 : i32
        %get3A_264 = arith.index_cast %get3A_263 : i32 to index
        %get3A_265 = arith.index_cast %mul3A_224 : i32 to index
        %get3A_266 = tpu.vector_load %arg10[%get3A_264, %get3A_265] {strides = array<i32>} : memref<16x2048xf32, #tpu.memory_space<vmem>>, vector<1x16xf32>,
        %get3A_267 = vector.shape_cast %get3A_266 : vector<1x16xf32> to vector<16xf32>
        %mul3A_268 = arith.mulf %get3A_57, %get3A_267 : vector<16xf32>
        %get3A_269 = arith.constant 5 : i32
        %get3A_270 = arith.index_cast %get3A_269 : i32 to index
        %get3A_271 = arith.index_cast %mul3A_224 : i32 to index
        %get3A_272 = tpu.vector_load %arg10[%get3A_270, %get3A_271] {strides = array<i32>} : memref<16x2048xf32, #tpu.memory_space<vmem>>, vector<1x16xf32>,
        %get3A_273 = vector.shape_cast %get3A_272 : vector<1x16xf32> to vector<16xf32>
        %mul3A_274 = arith.mulf %get3A_62, %get3A_273 : vector<16xf32>
        %add3A_275 = arith.addf %mul3A_268, %mul3A_274 : vector<16xf32>
        %get3A_276 = arith.constant 6 : i32
        %get3A_277 = arith.index_cast %get3A_276 : i32 to index
        %get3A_278 = arith.index_cast %mul3A_224 : i32 to index
        %get3A_279 = tpu.vector_load %arg10[%get3A_277, %get3A_278] {strides = array<i32>} : memref<16x2048xf32, #tpu.memory_space<vmem>>, vector<1x16xf32>,
        %get3A_280 = vector.shape_cast %get3A_279 : vector<1x16xf32> to vector<16xf32>
        %mul3A_281 = arith.mulf %get3A_67, %get3A_280 : vector<16xf32>
        %get3A_282 = arith.constant 7 : i32
        %get3A_283 = arith.index_cast %get3A_282 : i32 to index
        %get3A_284 = arith.index_cast %mul3A_224 : i32 to index
        %get3A_285 = tpu.vector_load %arg10[%get3A_283, %get3A_284] {strides = array<i32>} : memref<16x2048xf32, #tpu.memory_space<vmem>>, vector<1x16xf32>,
        %get3A_286 = vector.shape_cast %get3A_285 : vector<1x16xf32> to vector<16xf32>
        %mul3A_287 = arith.mulf %get3A_72, %get3A_286 : vector<16xf32>
        %add3A_288 = arith.addf %mul3A_281, %mul3A_287 : vector<16xf32>
        %get3A_289 = arith.constant 1 : i32
        %get3A_290 = arith.index_cast %get3A_289 : i32 to index
        %get3A_291 = arith.index_cast %mul3A_224 : i32 to index
        %get3A_292 = tpu.vector_load %arg12[%get3A_290, %get3A_291] {strides = array<i32>} : memref<4x2048xf32, #tpu.memory_space<vmem>>, vector<1x16xf32>,
        %get3A_293 = vector.shape_cast %get3A_292 : vector<1x16xf32> to vector<16xf32>
        %add3A_294 = arith.addf %add3A_275, %add3A_288 : vector<16xf32>
        %add3A_295 = arith.addf %get3A_293, %add3A_294 : vector<16xf32>
        %swap3A_296 = arith.constant 1 : i32
        %swap3A_297 = arith.index_cast %swap3A_296 : i32 to index
        %swap3A_298 = arith.index_cast %mul3A_224 : i32 to index
        %swap3A_299 = tpu.vector_load %arg12[%swap3A_297, %swap3A_298] {strides = array<i32>} : memref<4x2048xf32, #tpu.memory_space<vmem>>, vector<1x16xf32>,
        %swap3A_300 = vector.shape_cast %swap3A_299 : vector<1x16xf32> to vector<16xf32>
        %swap3A_301 = vector.shape_cast %add3A_295 : vector<16xf32> to vector<1x16xf32>
        tpu.vector_store %arg12[%swap3A_297, %swap3A_298], %swap3A_301 {strides = array<i32>} : memref<4x2048xf32, #tpu.memory_space<vmem>>, vector<1x16xf32>,
        %get3A_302 = arith.constant 8 : i32
        %get3A_303 = arith.index_cast %get3A_302 : i32 to index
        %get3A_304 = arith.index_cast %mul3A_224 : i32 to index
        %get3A_305 = tpu.vector_load %arg10[%get3A_303, %get3A_304] {strides = array<i32>} : memref<16x2048xf32, #tpu.memory_space<vmem>>, vector<1x16xf32>,
        %get3A_306 = vector.shape_cast %get3A_305 : vector<1x16xf32> to vector<16xf32>
        %mul3A_307 = arith.mulf %get3A_77, %get3A_306 : vector<16xf32>
        %get3A_308 = arith.constant 9 : i32
        %get3A_309 = arith.index_cast %get3A_308 : i32 to index
        %get3A_310 = arith.index_cast %mul3A_224 : i32 to index
        %get3A_311 = tpu.vector_load %arg10[%get3A_309, %get3A_310] {strides = array<i32>} : memref<16x2048xf32, #tpu.memory_space<vmem>>, vector<1x16xf32>,
        %get3A_312 = vector.shape_cast %get3A_311 : vector<1x16xf32> to vector<16xf32>
        %mul3A_313 = arith.mulf %get3A_82, %get3A_312 : vector<16xf32>
        %add3A_314 = arith.addf %mul3A_307, %mul3A_313 : vector<16xf32>
        %get3A_315 = arith.constant 10 : i32
        %get3A_316 = arith.index_cast %get3A_315 : i32 to index
        %get3A_317 = arith.index_cast %mul3A_224 : i32 to index
        %get3A_318 = tpu.vector_load %arg10[%get3A_316, %get3A_317] {strides = array<i32>} : memref<16x2048xf32, #tpu.memory_space<vmem>>, vector<1x16xf32>,
        %get3A_319 = vector.shape_cast %get3A_318 : vector<1x16xf32> to vector<16xf32>
        %mul3A_320 = arith.mulf %get3A_87, %get3A_319 : vector<16xf32>
        %get3A_321 = arith.constant 11 : i32
        %get3A_322 = arith.index_cast %get3A_321 : i32 to index
        %get3A_323 = arith.index_cast %mul3A_224 : i32 to index
        %get3A_324 = tpu.vector_load %arg10[%get3A_322, %get3A_323] {strides = array<i32>} : memref<16x2048xf32, #tpu.memory_space<vmem>>, vector<1x16xf32>,
        %get3A_325 = vector.shape_cast %get3A_324 : vector<1x16xf32> to vector<16xf32>
        %mul3A_326 = arith.mulf %get3A_92, %get3A_325 : vector<16xf32>
        %add3A_327 = arith.addf %mul3A_320, %mul3A_326 : vector<16xf32>
        %get3A_328 = arith.constant 2 : i32
        %get3A_329 = arith.index_cast %get3A_328 : i32 to index
        %get3A_330 = arith.index_cast %mul3A_224 : i32 to index
        %get3A_331 = tpu.vector_load %arg12[%get3A_329, %get3A_330] {strides = array<i32>} : memref<4x2048xf32, #tpu.memory_space<vmem>>, vector<1x16xf32>,
        %get3A_332 = vector.shape_cast %get3A_331 : vector<1x16xf32> to vector<16xf32>
        %add3A_333 = arith.addf %add3A_314, %add3A_327 : vector<16xf32>
        %add3A_334 = arith.addf %get3A_332, %add3A_333 : vector<16xf32>
        %swap3A_335 = arith.constant 2 : i32
        %swap3A_336 = arith.index_cast %swap3A_335 : i32 to index
        %swap3A_337 = arith.index_cast %mul3A_224 : i32 to index
        %swap3A_338 = tpu.vector_load %arg12[%swap3A_336, %swap3A_337] {strides = array<i32>} : memref<4x2048xf32, #tpu.memory_space<vmem>>, vector<1x16xf32>,
        %swap3A_339 = vector.shape_cast %swap3A_338 : vector<1x16xf32> to vector<16xf32>
        %swap3A_340 = vector.shape_cast %add3A_334 : vector<16xf32> to vector<1x16xf32>
        tpu.vector_store %arg12[%swap3A_336, %swap3A_337], %swap3A_340 {strides = array<i32>} : memref<4x2048xf32, #tpu.memory_space<vmem>>, vector<1x16xf32>,
        %get3A_341 = arith.constant 12 : i32
        %get3A_342 = arith.index_cast %get3A_341 : i32 to index
        %get3A_343 = arith.index_cast %mul3A_224 : i32 to index
        %get3A_344 = tpu.vector_load %arg10[%get3A_342, %get3A_343] {strides = array<i32>} : memref<16x2048xf32, #tpu.memory_space<vmem>>, vector<1x16xf32>,
        %get3A_345 = vector.shape_cast %get3A_344 : vector<1x16xf32> to vector<16xf32>
        %mul3A_346 = arith.mulf %get3A_97, %get3A_345 : vector<16xf32>
        %get3A_347 = arith.constant 13 : i32
        %get3A_348 = arith.index_cast %get3A_347 : i32 to index
        %get3A_349 = arith.index_cast %mul3A_224 : i32 to index
        %get3A_350 = tpu.vector_load %arg10[%get3A_348, %get3A_349] {strides = array<i32>} : memref<16x2048xf32, #tpu.memory_space<vmem>>, vector<1x16xf32>,
        %get3A_351 = vector.shape_cast %get3A_350 : vector<1x16xf32> to vector<16xf32>
        %mul3A_352 = arith.mulf %get3A_102, %get3A_351 : vector<16xf32>
        %add3A_353 = arith.addf %mul3A_346, %mul3A_352 : vector<16xf32>
        %get3A_354 = arith.constant 14 : i32
        %get3A_355 = arith.index_cast %get3A_354 : i32 to index
        %get3A_356 = arith.index_cast %mul3A_224 : i32 to index
        %get3A_357 = tpu.vector_load %arg10[%get3A_355, %get3A_356] {strides = array<i32>} : memref<16x2048xf32, #tpu.memory_space<vmem>>, vector<1x16xf32>,
        %get3A_358 = vector.shape_cast %get3A_357 : vector<1x16xf32> to vector<16xf32>
        %mul3A_359 = arith.mulf %get3A_107, %get3A_358 : vector<16xf32>
        %get3A_360 = arith.constant 15 : i32
        %get3A_361 = arith.index_cast %get3A_360 : i32 to index
        %get3A_362 = arith.index_cast %mul3A_224 : i32 to index
        %get3A_363 = tpu.vector_load %arg10[%get3A_361, %get3A_362] {strides = array<i32>} : memref<16x2048xf32, #tpu.memory_space<vmem>>, vector<1x16xf32>,
        %get3A_364 = vector.shape_cast %get3A_363 : vector<1x16xf32> to vector<16xf32>
        %mul3A_365 = arith.mulf %get3A_112, %get3A_364 : vector<16xf32>
        %add3A_366 = arith.addf %mul3A_359, %mul3A_365 : vector<16xf32>
        %get3A_367 = arith.constant 3 : i32
        %get3A_368 = arith.index_cast %get3A_367 : i32 to index
        %get3A_369 = arith.index_cast %mul3A_224 : i32 to index
        %get3A_370 = tpu.vector_load %arg12[%get3A_368, %get3A_369] {strides = array<i32>} : memref<4x2048xf32, #tpu.memory_space<vmem>>, vector<1x16xf32>,
        %get3A_371 = vector.shape_cast %get3A_370 : vector<1x16xf32> to vector<16xf32>
        %add3A_372 = arith.addf %add3A_353, %add3A_366 : vector<16xf32>
        %add3A_373 = arith.addf %get3A_371, %add3A_372 : vector<16xf32>
        %swap3A_374 = arith.constant 3 : i32
        %swap3A_375 = arith.index_cast %swap3A_374 : i32 to index
        %swap3A_376 = arith.index_cast %mul3A_224 : i32 to index
        %swap3A_377 = tpu.vector_load %arg12[%swap3A_375, %swap3A_376] {strides = array<i32>} : memref<4x2048xf32, #tpu.memory_space<vmem>>, vector<1x16xf32>,
        %swap3A_378 = vector.shape_cast %swap3A_377 : vector<1x16xf32> to vector<16xf32>
        %swap3A_379 = vector.shape_cast %add3A_373 : vector<16xf32> to vector<1x16xf32>
        tpu.vector_store %arg12[%swap3A_375, %swap3A_376], %swap3A_379 {strides = array<i32>} : memref<4x2048xf32, #tpu.memory_space<vmem>>, vector<1x16xf32>,
        %scan3A_380 = arith.constant 0 : i32
        %scan3A_381 = arith.constant 1 : i32
        %scan3A_382 = arith.addi %scan3A_221, %scan3A_381 : i32
        %mul3A_383 = arith.constant 16 : i32
        %mul3A_384 = arith.muli %scan3A_382, %mul3A_383 : i32
        %get3A_385 = arith.constant 0 : i32
        %get3A_386 = arith.index_cast %get3A_385 : i32 to index
        %get3A_387 = arith.index_cast %mul3A_384 : i32 to index
        %get3A_388 = tpu.vector_load %arg10[%get3A_386, %get3A_387] {strides = array<i32>} : memref<16x2048xf32, #tpu.memory_space<vmem>>, vector<1x16xf32>,
        %get3A_389 = vector.shape_cast %get3A_388 : vector<1x16xf32> to vector<16xf32>
        %mul3A_390 = arith.mulf %get3A_37, %get3A_389 : vector<16xf32>
        %get3A_391 = arith.constant 1 : i32
        %get3A_392 = arith.index_cast %get3A_391 : i32 to index
        %get3A_393 = arith.index_cast %mul3A_384 : i32 to index
        %get3A_394 = tpu.vector_load %arg10[%get3A_392, %get3A_393] {strides = array<i32>} : memref<16x2048xf32, #tpu.memory_space<vmem>>, vector<1x16xf32>,
        %get3A_395 = vector.shape_cast %get3A_394 : vector<1x16xf32> to vector<16xf32>
        %mul3A_396 = arith.mulf %get3A_42, %get3A_395 : vector<16xf32>
        %add3A_397 = arith.addf %mul3A_390, %mul3A_396 : vector<16xf32>
        %get3A_398 = arith.constant 2 : i32
        %get3A_399 = arith.index_cast %get3A_398 : i32 to index
        %get3A_400 = arith.index_cast %mul3A_384 : i32 to index
        %get3A_401 = tpu.vector_load %arg10[%get3A_399, %get3A_400] {strides = array<i32>} : memref<16x2048xf32, #tpu.memory_space<vmem>>, vector<1x16xf32>,
        %get3A_402 = vector.shape_cast %get3A_401 : vector<1x16xf32> to vector<16xf32>
        %mul3A_403 = arith.mulf %get3A_47, %get3A_402 : vector<16xf32>
        %get3A_404 = arith.constant 3 : i32
        %get3A_405 = arith.index_cast %get3A_404 : i32 to index
        %get3A_406 = arith.index_cast %mul3A_384 : i32 to index
        %get3A_407 = tpu.vector_load %arg10[%get3A_405, %get3A_406] {strides = array<i32>} : memref<16x2048xf32, #tpu.memory_space<vmem>>, vector<1x16xf32>,
        %get3A_408 = vector.shape_cast %get3A_407 : vector<1x16xf32> to vector<16xf32>
        %mul3A_409 = arith.mulf %get3A_52, %get3A_408 : vector<16xf32>
        %add3A_410 = arith.addf %mul3A_403, %mul3A_409 : vector<16xf32>
        %get3A_411 = arith.constant 0 : i32
        %get3A_412 = arith.index_cast %get3A_411 : i32 to index
        %get3A_413 = arith.index_cast %mul3A_384 : i32 to index
        %get3A_414 = tpu.vector_load %arg12[%get3A_412, %get3A_413] {strides = array<i32>} : memref<4x2048xf32, #tpu.memory_space<vmem>>, vector<1x16xf32>,
        %get3A_415 = vector.shape_cast %get3A_414 : vector<1x16xf32> to vector<16xf32>
        %add3A_416 = arith.addf %add3A_397, %add3A_410 : vector<16xf32>
        %add3A_417 = arith.addf %get3A_415, %add3A_416 : vector<16xf32>
        %swap3A_418 = arith.constant 0 : i32
        %swap3A_419 = arith.index_cast %swap3A_418 : i32 to index
        %swap3A_420 = arith.index_cast %mul3A_384 : i32 to index
        %swap3A_421 = tpu.vector_load %arg12[%swap3A_419, %swap3A_420] {strides = array<i32>} : memref<4x2048xf32, #tpu.memory_space<vmem>>, vector<1x16xf32>,
        %swap3A_422 = vector.shape_cast %swap3A_421 : vector<1x16xf32> to vector<16xf32>
        %swap3A_423 = vector.shape_cast %add3A_417 : vector<16xf32> to vector<1x16xf32>
        tpu.vector_store %arg12[%swap3A_419, %swap3A_420], %swap3A_423 {strides = array<i32>} : memref<4x2048xf32, #tpu.memory_space<vmem>>, vector<1x16xf32>,
        %get3A_424 = arith.constant 4 : i32
        %get3A_425 = arith.index_cast %get3A_424 : i32 to index
        %get3A_426 = arith.index_cast %mul3A_384 : i32 to index
        %get3A_427 = tpu.vector_load %arg10[%get3A_425, %get3A_426] {strides = array<i32>} : memref<16x2048xf32, #tpu.memory_space<vmem>>, vector<1x16xf32>,
        %get3A_428 = vector.shape_cast %get3A_427 : vector<1x16xf32> to vector<16xf32>
        %mul3A_429 = arith.mulf %get3A_57, %get3A_428 : vector<16xf32>
        %get3A_430 = arith.constant 5 : i32
        %get3A_431 = arith.index_cast %get3A_430 : i32 to index
        %get3A_432 = arith.index_cast %mul3A_384 : i32 to index
        %get3A_433 = tpu.vector_load %arg10[%get3A_431, %get3A_432] {strides = array<i32>} : memref<16x2048xf32, #tpu.memory_space<vmem>>, vector<1x16xf32>,
        %get3A_434 = vector.shape_cast %get3A_433 : vector<1x16xf32> to vector<16xf32>
        %mul3A_435 = arith.mulf %get3A_62, %get3A_434 : vector<16xf32>
        %add3A_436 = arith.addf %mul3A_429, %mul3A_435 : vector<16xf32>
        %get3A_437 = arith.constant 6 : i32
        %get3A_438 = arith.index_cast %get3A_437 : i32 to index
        %get3A_439 = arith.index_cast %mul3A_384 : i32 to index
        %get3A_440 = tpu.vector_load %arg10[%get3A_438, %get3A_439] {strides = array<i32>} : memref<16x2048xf32, #tpu.memory_space<vmem>>, vector<1x16xf32>,
        %get3A_441 = vector.shape_cast %get3A_440 : vector<1x16xf32> to vector<16xf32>
        %mul3A_442 = arith.mulf %get3A_67, %get3A_441 : vector<16xf32>
        %get3A_443 = arith.constant 7 : i32
        %get3A_444 = arith.index_cast %get3A_443 : i32 to index
        %get3A_445 = arith.index_cast %mul3A_384 : i32 to index
        %get3A_446 = tpu.vector_load %arg10[%get3A_444, %get3A_445] {strides = array<i32>} : memref<16x2048xf32, #tpu.memory_space<vmem>>, vector<1x16xf32>,
        %get3A_447 = vector.shape_cast %get3A_446 : vector<1x16xf32> to vector<16xf32>
        %mul3A_448 = arith.mulf %get3A_72, %get3A_447 : vector<16xf32>
        %add3A_449 = arith.addf %mul3A_442, %mul3A_448 : vector<16xf32>
        %get3A_450 = arith.constant 1 : i32
        %get3A_451 = arith.index_cast %get3A_450 : i32 to index
        %get3A_452 = arith.index_cast %mul3A_384 : i32 to index
        %get3A_453 = tpu.vector_load %arg12[%get3A_451, %get3A_452] {strides = array<i32>} : memref<4x2048xf32, #tpu.memory_space<vmem>>, vector<1x16xf32>,
        %get3A_454 = vector.shape_cast %get3A_453 : vector<1x16xf32> to vector<16xf32>
        %add3A_455 = arith.addf %add3A_436, %add3A_449 : vector<16xf32>
        %add3A_456 = arith.addf %get3A_454, %add3A_455 : vector<16xf32>
        %swap3A_457 = arith.constant 1 : i32
        %swap3A_458 = arith.index_cast %swap3A_457 : i32 to index
        %swap3A_459 = arith.index_cast %mul3A_384 : i32 to index
        %swap3A_460 = tpu.vector_load %arg12[%swap3A_458, %swap3A_459] {strides = array<i32>} : memref<4x2048xf32, #tpu.memory_space<vmem>>, vector<1x16xf32>,
        %swap3A_461 = vector.shape_cast %swap3A_460 : vector<1x16xf32> to vector<16xf32>
        %swap3A_462 = vector.shape_cast %add3A_456 : vector<16xf32> to vector<1x16xf32>
        tpu.vector_store %arg12[%swap3A_458, %swap3A_459], %swap3A_462 {strides = array<i32>} : memref<4x2048xf32, #tpu.memory_space<vmem>>, vector<1x16xf32>,
        %get3A_463 = arith.constant 8 : i32
        %get3A_464 = arith.index_cast %get3A_463 : i32 to index
        %get3A_465 = arith.index_cast %mul3A_384 : i32 to index
        %get3A_466 = tpu.vector_load %arg10[%get3A_464, %get3A_465] {strides = array<i32>} : memref<16x2048xf32, #tpu.memory_space<vmem>>, vector<1x16xf32>,
        %get3A_467 = vector.shape_cast %get3A_466 : vector<1x16xf32> to vector<16xf32>
        %mul3A_468 = arith.mulf %get3A_77, %get3A_467 : vector<16xf32>
        %get3A_469 = arith.constant 9 : i32
        %get3A_470 = arith.index_cast %get3A_469 : i32 to index
        %get3A_471 = arith.index_cast %mul3A_384 : i32 to index
        %get3A_472 = tpu.vector_load %arg10[%get3A_470, %get3A_471] {strides = array<i32>} : memref<16x2048xf32, #tpu.memory_space<vmem>>, vector<1x16xf32>,
        %get3A_473 = vector.shape_cast %get3A_472 : vector<1x16xf32> to vector<16xf32>
        %mul3A_474 = arith.mulf %get3A_82, %get3A_473 : vector<16xf32>
        %add3A_475 = arith.addf %mul3A_468, %mul3A_474 : vector<16xf32>
        %get3A_476 = arith.constant 10 : i32
        %get3A_477 = arith.index_cast %get3A_476 : i32 to index
        %get3A_478 = arith.index_cast %mul3A_384 : i32 to index
        %get3A_479 = tpu.vector_load %arg10[%get3A_477, %get3A_478] {strides = array<i32>} : memref<16x2048xf32, #tpu.memory_space<vmem>>, vector<1x16xf32>,
        %get3A_480 = vector.shape_cast %get3A_479 : vector<1x16xf32> to vector<16xf32>
        %mul3A_481 = arith.mulf %get3A_87, %get3A_480 : vector<16xf32>
        %get3A_482 = arith.constant 11 : i32
        %get3A_483 = arith.index_cast %get3A_482 : i32 to index
        %get3A_484 = arith.index_cast %mul3A_384 : i32 to index
        %get3A_485 = tpu.vector_load %arg10[%get3A_483, %get3A_484] {strides = array<i32>} : memref<16x2048xf32, #tpu.memory_space<vmem>>, vector<1x16xf32>,
        %get3A_486 = vector.shape_cast %get3A_485 : vector<1x16xf32> to vector<16xf32>
        %mul3A_487 = arith.mulf %get3A_92, %get3A_486 : vector<16xf32>
        %add3A_488 = arith.addf %mul3A_481, %mul3A_487 : vector<16xf32>
        %get3A_489 = arith.constant 2 : i32
        %get3A_490 = arith.index_cast %get3A_489 : i32 to index
        %get3A_491 = arith.index_cast %mul3A_384 : i32 to index
        %get3A_492 = tpu.vector_load %arg12[%get3A_490, %get3A_491] {strides = array<i32>} : memref<4x2048xf32, #tpu.memory_space<vmem>>, vector<1x16xf32>,
        %get3A_493 = vector.shape_cast %get3A_492 : vector<1x16xf32> to vector<16xf32>
        %add3A_494 = arith.addf %add3A_475, %add3A_488 : vector<16xf32>
        %add3A_495 = arith.addf %get3A_493, %add3A_494 : vector<16xf32>
        %swap3A_496 = arith.constant 2 : i32
        %swap3A_497 = arith.index_cast %swap3A_496 : i32 to index
        %swap3A_498 = arith.index_cast %mul3A_384 : i32 to index
        %swap3A_499 = tpu.vector_load %arg12[%swap3A_497, %swap3A_498] {strides = array<i32>} : memref<4x2048xf32, #tpu.memory_space<vmem>>, vector<1x16xf32>,
        %swap3A_500 = vector.shape_cast %swap3A_499 : vector<1x16xf32> to vector<16xf32>
        %swap3A_501 = vector.shape_cast %add3A_495 : vector<16xf32> to vector<1x16xf32>
        tpu.vector_store %arg12[%swap3A_497, %swap3A_498], %swap3A_501 {strides = array<i32>} : memref<4x2048xf32, #tpu.memory_space<vmem>>, vector<1x16xf32>,
        %get3A_502 = arith.constant 12 : i32
        %get3A_503 = arith.index_cast %get3A_502 : i32 to index
        %get3A_504 = arith.index_cast %mul3A_384 : i32 to index
        %get3A_505 = tpu.vector_load %arg10[%get3A_503, %get3A_504] {strides = array<i32>} : memref<16x2048xf32, #tpu.memory_space<vmem>>, vector<1x16xf32>,
        %get3A_506 = vector.shape_cast %get3A_505 : vector<1x16xf32> to vector<16xf32>
        %mul3A_507 = arith.mulf %get3A_97, %get3A_506 : vector<16xf32>
        %get3A_508 = arith.constant 13 : i32
        %get3A_509 = arith.index_cast %get3A_508 : i32 to index
        %get3A_510 = arith.index_cast %mul3A_384 : i32 to index
        %get3A_511 = tpu.vector_load %arg10[%get3A_509, %get3A_510] {strides = array<i32>} : memref<16x2048xf32, #tpu.memory_space<vmem>>, vector<1x16xf32>,
        %get3A_512 = vector.shape_cast %get3A_511 : vector<1x16xf32> to vector<16xf32>
        %mul3A_513 = arith.mulf %get3A_102, %get3A_512 : vector<16xf32>
        %add3A_514 = arith.addf %mul3A_507, %mul3A_513 : vector<16xf32>
        %get3A_515 = arith.constant 14 : i32
        %get3A_516 = arith.index_cast %get3A_515 : i32 to index
        %get3A_517 = arith.index_cast %mul3A_384 : i32 to index
        %get3A_518 = tpu.vector_load %arg10[%get3A_516, %get3A_517] {strides = array<i32>} : memref<16x2048xf32, #tpu.memory_space<vmem>>, vector<1x16xf32>,
        %get3A_519 = vector.shape_cast %get3A_518 : vector<1x16xf32> to vector<16xf32>
        %mul3A_520 = arith.mulf %get3A_107, %get3A_519 : vector<16xf32>
        %get3A_521 = arith.constant 15 : i32
        %get3A_522 = arith.index_cast %get3A_521 : i32 to index
        %get3A_523 = arith.index_cast %mul3A_384 : i32 to index
        %get3A_524 = tpu.vector_load %arg10[%get3A_522, %get3A_523] {strides = array<i32>} : memref<16x2048xf32, #tpu.memory_space<vmem>>, vector<1x16xf32>,
        %get3A_525 = vector.shape_cast %get3A_524 : vector<1x16xf32> to vector<16xf32>
        %mul3A_526 = arith.mulf %get3A_112, %get3A_525 : vector<16xf32>
        %add3A_527 = arith.addf %mul3A_520, %mul3A_526 : vector<16xf32>
        %get3A_528 = arith.constant 3 : i32
        %get3A_529 = arith.index_cast %get3A_528 : i32 to index
        %get3A_530 = arith.index_cast %mul3A_384 : i32 to index
        %get3A_531 = tpu.vector_load %arg12[%get3A_529, %get3A_530] {strides = array<i32>} : memref<4x2048xf32, #tpu.memory_space<vmem>>, vector<1x16xf32>,
        %get3A_532 = vector.shape_cast %get3A_531 : vector<1x16xf32> to vector<16xf32>
        %add3A_533 = arith.addf %add3A_514, %add3A_527 : vector<16xf32>
        %add3A_534 = arith.addf %get3A_532, %add3A_533 : vector<16xf32>
        %swap3A_535 = arith.constant 3 : i32
        %swap3A_536 = arith.index_cast %swap3A_535 : i32 to index
        %swap3A_537 = arith.index_cast %mul3A_384 : i32 to index
        %swap3A_538 = tpu.vector_load %arg12[%swap3A_536, %swap3A_537] {strides = array<i32>} : memref<4x2048xf32, #tpu.memory_space<vmem>>, vector<1x16xf32>,
        %swap3A_539 = vector.shape_cast %swap3A_538 : vector<1x16xf32> to vector<16xf32>
        %swap3A_540 = vector.shape_cast %add3A_534 : vector<16xf32> to vector<1x16xf32>
        tpu.vector_store %arg12[%swap3A_536, %swap3A_537], %swap3A_540 {strides = array<i32>} : memref<4x2048xf32, #tpu.memory_space<vmem>>, vector<1x16xf32>,
        %scan3A_541 = arith.constant 0 : i32
        scf.yield %scan3A_541 : i32
      }
      %scan3A_119 = arith.constant 128 : i32
      "tpu.region"() ({
        %run_scoped3A = tpu.sem_alloc : memref<!tpu.dma_semaphore, #tpu.memory_space<semaphore_mem>>
        %dma_start3A_221 = arith.constant 0 : i32
        %dma_start3A_222 = tpu.memref_slice %arg6[%add3A_29, %dma_start3A_221] : memref<2048x2048xf32, #tpu.memory_space<hbm>> -> memref<4x2048xf32, #tpu.memory_space<hbm>>
        %dma_start3A_223 = arith.constant 0 : i32
        %dma_start3A_224 = tpu.memref_slice %arg6[%add3A_29, %dma_start3A_223] : memref<2048x2048xf32, #tpu.memory_space<hbm>> -> memref<4x2048xf32, #tpu.memory_space<hbm>>
        tpu.enqueue_dma source(%arg12 : memref<4x2048xf32, #tpu.memory_space<vmem>>) target(%dma_start3A_224 : memref<4x2048xf32, #tpu.memory_space<hbm>>) target_semaphore(%run_scoped3A : memref<!tpu.dma_semaphore, #tpu.memory_space<semaphore_mem>>)
        %dma_wait3A_225 = arith.constant 0 : i32
        %dma_wait3A_226 = tpu.memref_slice %arg6[%add3A_29, %dma_wait3A_225] : memref<2048x2048xf32, #tpu.memory_space<hbm>> -> memref<4x2048xf32, #tpu.memory_space<hbm>>
        %dma_wait3A_227 = arith.constant 0 : i32
        %dma_wait3A_228 = tpu.memref_slice %arg6[%add3A_29, %dma_wait3A_227] : memref<2048x2048xf32, #tpu.memory_space<hbm>> -> memref<4x2048xf32, #tpu.memory_space<hbm>>
        tpu.wait_dma2 semaphore(%run_scoped3A : memref<!tpu.dma_semaphore, #tpu.memory_space<semaphore_mem>>) src(%arg12 : memref<4x2048xf32, #tpu.memory_space<vmem>>) dst(%dma_wait3A_228 : memref<4x2048xf32, #tpu.memory_space<hbm>>)
        tpu.yield
      }) : () -> ()
      %add3A_120 = arith.constant 1 : i32
      %add3A_121 = arith.addi %scan3A_14, %add3A_120 : i32
      %lt3A = arith.constant 8 : i32
      %lt3A_122 = arith.cmpi slt, %add3A_121, %lt3A : i32
      %convert_element_type3A = arith.extui %lt3A_122 : i1 to i32
      %cond3A = arith.constant 0 : i32
      %cond3A_123 = arith.cmpi ne, %convert_element_type3A, %cond3A : i32
      scf.if %cond3A_123 {
        %add3A_221 = arith.constant 2 : i32
        %add3A_222 = arith.addi %mul3A_16, %add3A_221 : i32
        %mul3A_223 = arith.constant 4 : i32
        %mul3A_224 = arith.muli %add3A_222, %mul3A_223 : i32
        %add3A_225 = arith.addi %mul3A_2, %mul3A_224 : i32
        %mul3A_226 = arith.constant 4 : i32
        %mul3A_227 = arith.muli %add3A_225, %mul3A_226 : i32
        "tpu.region"() ({
          %run_scoped3A = tpu.sem_alloc : memref<!tpu.dma_semaphore, #tpu.memory_space<semaphore_mem>>
          %dma_start3A_231 = tpu.memref_slice %arg4[%mul3A_227] : memref<8192xi32, #tpu.memory_space<hbm>> -> memref<16xi32, #tpu.memory_space<hbm>>
          %dma_start3A_232 = tpu.memref_slice %arg4[%mul3A_227] : memref<8192xi32, #tpu.memory_space<hbm>> -> memref<16xi32, #tpu.memory_space<hbm>>
          tpu.enqueue_dma source(%dma_start3A_232 : memref<16xi32, #tpu.memory_space<hbm>>) target(%arg7 : memref<16xi32, #tpu.memory_space<vmem>>) target_semaphore(%run_scoped3A : memref<!tpu.dma_semaphore, #tpu.memory_space<semaphore_mem>>)
          %dma_wait3A_233 = tpu.memref_slice %arg4[%mul3A_227] : memref<8192xi32, #tpu.memory_space<hbm>> -> memref<16xi32, #tpu.memory_space<hbm>>
          %dma_wait3A_234 = tpu.memref_slice %arg4[%mul3A_227] : memref<8192xi32, #tpu.memory_space<hbm>> -> memref<16xi32, #tpu.memory_space<hbm>>
          tpu.wait_dma2 semaphore(%run_scoped3A : memref<!tpu.dma_semaphore, #tpu.memory_space<semaphore_mem>>) src(%dma_wait3A_234 : memref<16xi32, #tpu.memory_space<hbm>>) dst(%arg7 : memref<16xi32, #tpu.memory_space<vmem>>)
          tpu.yield
        }) : () -> ()
        %dma_start3A_228 = arith.constant 0 : i32
        %dma_start3A_229 = arith.constant 0 : i32
        %dma_start3A_230 = tpu.memref_slice %arg2[%dma_start3A_228, %dma_start3A_229] : memref<100000x2048xf32, #tpu.memory_space<hbm>> -> memref<100000x2048xf32, #tpu.memory_space<hbm>>
        tpu.enqueue_indirect_dma source(%dma_start3A_230 : memref<100000x2048xf32, #tpu.memory_space<hbm>>) target(%arg10 : memref<16x2048xf32, #tpu.memory_space<vmem>>) offsets(%arg7 : memref<16xi32, #tpu.memory_space<vmem>>) semaphore(%arg13 : memref<!tpu.dma_semaphore, #tpu.memory_space<semaphore_mem>>)
      } else {
      }
      %add3A_124 = arith.constant 1 : i32
      %add3A_125 = arith.addi %mul3A_16, %add3A_124 : i32
      %mul3A_126 = arith.constant 4 : i32
      %mul3A_127 = arith.muli %add3A_125, %mul3A_126 : i32
      %add3A_128 = arith.addi %mul3A_2, %mul3A_127 : i32
      %mul3A_129 = arith.constant 4 : i32
      %mul3A_130 = arith.muli %add3A_128, %mul3A_129 : i32
      "tpu.region"() ({
        %run_scoped3A = tpu.sem_alloc : memref<!tpu.dma_semaphore, #tpu.memory_space<semaphore_mem>>
        %dma_start3A_221 = arith.constant 0 : i32
        %dma_start3A_222 = tpu.memref_slice %arg5[%mul3A_130, %dma_start3A_221] : memref<8192x16xf32, #tpu.memory_space<hbm>> -> memref<16x16xf32, #tpu.memory_space<hbm>>
        %dma_start3A_223 = arith.constant 0 : i32
        %dma_start3A_224 = tpu.memref_slice %arg5[%mul3A_130, %dma_start3A_223] : memref<8192x16xf32, #tpu.memory_space<hbm>> -> memref<16x16xf32, #tpu.memory_space<hbm>>
        tpu.enqueue_dma source(%dma_start3A_224 : memref<16x16xf32, #tpu.memory_space<hbm>>) target(%arg9 : memref<16x16xf32, #tpu.memory_space<vmem>>) target_semaphore(%run_scoped3A : memref<!tpu.dma_semaphore, #tpu.memory_space<semaphore_mem>>)
        %dma_wait3A_225 = arith.constant 0 : i32
        %dma_wait3A_226 = tpu.memref_slice %arg5[%mul3A_130, %dma_wait3A_225] : memref<8192x16xf32, #tpu.memory_space<hbm>> -> memref<16x16xf32, #tpu.memory_space<hbm>>
        %dma_wait3A_227 = arith.constant 0 : i32
        %dma_wait3A_228 = tpu.memref_slice %arg5[%mul3A_130, %dma_wait3A_227] : memref<8192x16xf32, #tpu.memory_space<hbm>> -> memref<16x16xf32, #tpu.memory_space<hbm>>
        tpu.wait_dma2 semaphore(%run_scoped3A : memref<!tpu.dma_semaphore, #tpu.memory_space<semaphore_mem>>) src(%dma_wait3A_228 : memref<16x16xf32, #tpu.memory_space<hbm>>) dst(%arg9 : memref<16x16xf32, #tpu.memory_space<vmem>>)
        tpu.yield
      }) : () -> ()
      "tpu.region"() ({
        %run_scoped3A = tpu.sem_alloc : memref<!tpu.dma_semaphore, #tpu.memory_space<semaphore_mem>>
        %dma_start3A_221 = arith.constant 0 : i32
        %dma_start3A_222 = tpu.memref_slice %arg3[%add3A_128, %dma_start3A_221] : memref<2048x2048xf32, #tpu.memory_space<hbm>> -> memref<4x2048xf32, #tpu.memory_space<hbm>>
        %dma_start3A_223 = arith.constant 0 : i32
        %dma_start3A_224 = tpu.memref_slice %arg3[%add3A_128, %dma_start3A_223] : memref<2048x2048xf32, #tpu.memory_space<hbm>> -> memref<4x2048xf32, #tpu.memory_space<hbm>>
        tpu.enqueue_dma source(%dma_start3A_224 : memref<4x2048xf32, #tpu.memory_space<hbm>>) target(%arg12 : memref<4x2048xf32, #tpu.memory_space<vmem>>) target_semaphore(%run_scoped3A : memref<!tpu.dma_semaphore, #tpu.memory_space<semaphore_mem>>)
        %dma_wait3A_225 = arith.constant 0 : i32
        %dma_wait3A_226 = tpu.memref_slice %arg3[%add3A_128, %dma_wait3A_225] : memref<2048x2048xf32, #tpu.memory_space<hbm>> -> memref<4x2048xf32, #tpu.memory_space<hbm>>
        %dma_wait3A_227 = arith.constant 0 : i32
        %dma_wait3A_228 = tpu.memref_slice %arg3[%add3A_128, %dma_wait3A_227] : memref<2048x2048xf32, #tpu.memory_space<hbm>> -> memref<4x2048xf32, #tpu.memory_space<hbm>>
        tpu.wait_dma2 semaphore(%run_scoped3A : memref<!tpu.dma_semaphore, #tpu.memory_space<semaphore_mem>>) src(%dma_wait3A_228 : memref<4x2048xf32, #tpu.memory_space<hbm>>) dst(%arg12 : memref<4x2048xf32, #tpu.memory_space<vmem>>)
        tpu.yield
      }) : () -> ()
      %dma_wait3A_131 = arith.constant 0 : i32
      %dma_wait3A_132 = arith.constant 0 : i32
      %dma_wait3A_133 = tpu.memref_slice %arg2[%dma_wait3A_131, %dma_wait3A_132] : memref<100000x2048xf32, #tpu.memory_space<hbm>> -> memref<100000x2048xf32, #tpu.memory_space<hbm>>
      tpu.wait_indirect_dma semaphore(%arg14 : memref<!tpu.dma_semaphore, #tpu.memory_space<semaphore_mem>>) src(%dma_wait3A_133 : memref<100000x2048xf32, #tpu.memory_space<hbm>>) dst(%arg11 : memref<16x2048xf32, #tpu.memory_space<vmem>>)
      %get3A_134 = arith.constant 0 : i32
      %get3A_135 = arith.index_cast %get3A_134 : i32 to index
      %get3A_136 = arith.constant 0 : index
      %get3A_137 = tpu.vector_load %arg9[%get3A_135, %get3A_136] {strides = array<i32>} : memref<16x16xf32, #tpu.memory_space<vmem>>, vector<1x16xf32>,
      %get3A_138 = vector.shape_cast %get3A_137 : vector<1x16xf32> to vector<16xf32>
      %get3A_139 = arith.constant 1 : i32
      %get3A_140 = arith.index_cast %get3A_139 : i32 to index
      %get3A_141 = arith.constant 0 : index
      %get3A_142 = tpu.vector_load %arg9[%get3A_140, %get3A_141] {strides = array<i32>} : memref<16x16xf32, #tpu.memory_space<vmem>>, vector<1x16xf32>,
      %get3A_143 = vector.shape_cast %get3A_142 : vector<1x16xf32> to vector<16xf32>
      %get3A_144 = arith.constant 2 : i32
      %get3A_145 = arith.index_cast %get3A_144 : i32 to index
      %get3A_146 = arith.constant 0 : index
      %get3A_147 = tpu.vector_load %arg9[%get3A_145, %get3A_146] {strides = array<i32>} : memref<16x16xf32, #tpu.memory_space<vmem>>, vector<1x16xf32>,
      %get3A_148 = vector.shape_cast %get3A_147 : vector<1x16xf32> to vector<16xf32>
      %get3A_149 = arith.constant 3 : i32
      %get3A_150 = arith.index_cast %get3A_149 : i32 to index
      %get3A_151 = arith.constant 0 : index
      %get3A_152 = tpu.vector_load %arg9[%get3A_150, %get3A_151] {strides = array<i32>} : memref<16x16xf32, #tpu.memory_space<vmem>>, vector<1x16xf32>,
      %get3A_153 = vector.shape_cast %get3A_152 : vector<1x16xf32> to vector<16xf32>
      %get3A_154 = arith.constant 4 : i32
      %get3A_155 = arith.index_cast %get3A_154 : i32 to index
      %get3A_156 = arith.constant 0 : index
      %get3A_157 = tpu.vector_load %arg9[%get3A_155, %get3A_156] {strides = array<i32>} : memref<16x16xf32, #tpu.memory_space<vmem>>, vector<1x16xf32>,
      %get3A_158 = vector.shape_cast %get3A_157 : vector<1x16xf32> to vector<16xf32>
      %get3A_159 = arith.constant 5 : i32
      %get3A_160 = arith.index_cast %get3A_159 : i32 to index
      %get3A_161 = arith.constant 0 : index
      %get3A_162 = tpu.vector_load %arg9[%get3A_160, %get3A_161] {strides = array<i32>} : memref<16x16xf32, #tpu.memory_space<vmem>>, vector<1x16xf32>,
      %get3A_163 = vector.shape_cast %get3A_162 : vector<1x16xf32> to vector<16xf32>
      %get3A_164 = arith.constant 6 : i32
      %get3A_165 = arith.index_cast %get3A_164 : i32 to index
      %get3A_166 = arith.constant 0 : index
      %get3A_167 = tpu.vector_load %arg9[%get3A_165, %get3A_166] {strides = array<i32>} : memref<16x16xf32, #tpu.memory_space<vmem>>, vector<1x16xf32>,
      %get3A_168 = vector.shape_cast %get3A_167 : vector<1x16xf32> to vector<16xf32>
      %get3A_169 = arith.constant 7 : i32
      %get3A_170 = arith.index_cast %get3A_169 : i32 to index
      %get3A_171 = arith.constant 0 : index
      %get3A_172 = tpu.vector_load %arg9[%get3A_170, %get3A_171] {strides = array<i32>} : memref<16x16xf32, #tpu.memory_space<vmem>>, vector<1x16xf32>,
      %get3A_173 = vector.shape_cast %get3A_172 : vector<1x16xf32> to vector<16xf32>
      %get3A_174 = arith.constant 8 : i32
      %get3A_175 = arith.index_cast %get3A_174 : i32 to index
      %get3A_176 = arith.constant 0 : index
      %get3A_177 = tpu.vector_load %arg9[%get3A_175, %get3A_176] {strides = array<i32>} : memref<16x16xf32, #tpu.memory_space<vmem>>, vector<1x16xf32>,
      %get3A_178 = vector.shape_cast %get3A_177 : vector<1x16xf32> to vector<16xf32>
      %get3A_179 = arith.constant 9 : i32
      %get3A_180 = arith.index_cast %get3A_179 : i32 to index
      %get3A_181 = arith.constant 0 : index
      %get3A_182 = tpu.vector_load %arg9[%get3A_180, %get3A_181] {strides = array<i32>} : memref<16x16xf32, #tpu.memory_space<vmem>>, vector<1x16xf32>,
      %get3A_183 = vector.shape_cast %get3A_182 : vector<1x16xf32> to vector<16xf32>
      %get3A_184 = arith.constant 10 : i32
      %get3A_185 = arith.index_cast %get3A_184 : i32 to index
      %get3A_186 = arith.constant 0 : index
      %get3A_187 = tpu.vector_load %arg9[%get3A_185, %get3A_186] {strides = array<i32>} : memref<16x16xf32, #tpu.memory_space<vmem>>, vector<1x16xf32>,
      %get3A_188 = vector.shape_cast %get3A_187 : vector<1x16xf32> to vector<16xf32>
      %get3A_189 = arith.constant 11 : i32
      %get3A_190 = arith.index_cast %get3A_189 : i32 to index
      %get3A_191 = arith.constant 0 : index
      %get3A_192 = tpu.vector_load %arg9[%get3A_190, %get3A_191] {strides = array<i32>} : memref<16x16xf32, #tpu.memory_space<vmem>>, vector<1x16xf32>,
      %get3A_193 = vector.shape_cast %get3A_192 : vector<1x16xf32> to vector<16xf32>
      %get3A_194 = arith.constant 12 : i32
      %get3A_195 = arith.index_cast %get3A_194 : i32 to index
      %get3A_196 = arith.constant 0 : index
      %get3A_197 = tpu.vector_load %arg9[%get3A_195, %get3A_196] {strides = array<i32>} : memref<16x16xf32, #tpu.memory_space<vmem>>, vector<1x16xf32>,
      %get3A_198 = vector.shape_cast %get3A_197 : vector<1x16xf32> to vector<16xf32>
      %get3A_199 = arith.constant 13 : i32
      %get3A_200 = arith.index_cast %get3A_199 : i32 to index
      %get3A_201 = arith.constant 0 : index
      %get3A_202 = tpu.vector_load %arg9[%get3A_200, %get3A_201] {strides = array<i32>} : memref<16x16xf32, #tpu.memory_space<vmem>>, vector<1x16xf32>,
      %get3A_203 = vector.shape_cast %get3A_202 : vector<1x16xf32> to vector<16xf32>
      %get3A_204 = arith.constant 14 : i32
      %get3A_205 = arith.index_cast %get3A_204 : i32 to index
      %get3A_206 = arith.constant 0 : index
      %get3A_207 = tpu.vector_load %arg9[%get3A_205, %get3A_206] {strides = array<i32>} : memref<16x16xf32, #tpu.memory_space<vmem>>, vector<1x16xf32>,
      %get3A_208 = vector.shape_cast %get3A_207 : vector<1x16xf32> to vector<16xf32>
      %get3A_209 = arith.constant 15 : i32
      %get3A_210 = arith.index_cast %get3A_209 : i32 to index
      %get3A_211 = arith.constant 0 : index
      %get3A_212 = tpu.vector_load %arg9[%get3A_210, %get3A_211] {strides = array<i32>} : memref<16x16xf32, #tpu.memory_space<vmem>>, vector<1x16xf32>,
      %get3A_213 = vector.shape_cast %get3A_212 : vector<1x16xf32> to vector<16xf32>
      %scan3A_214 = arith.constant 0 : i32
      %scan3A_215 = arith.constant 0 : i32
      %scan3A_216 = arith.constant 128 : i32
      %scan3A_217 = arith.addi %scan3A_215, %scan3A_216 : i32
      %scan3A_218 = arith.constant 2 : i32
      %scan3A_219 = scf.for %scan3A_221 = %scan3A_215 to %scan3A_217 step %scan3A_218 iter_args(%scan3A_222 = %scan3A_214) -> (i32)  : i32 {
        %mul3A_223 = arith.constant 16 : i32
        %mul3A_224 = arith.muli %scan3A_221, %mul3A_223 : i32
        %get3A_225 = arith.constant 0 : i32
        %get3A_226 = arith.index_cast %get3A_225 : i32 to index
        %get3A_227 = arith.index_cast %mul3A_224 : i32 to index
        %get3A_228 = tpu.vector_load %arg11[%get3A_226, %get3A_227] {strides = array<i32>} : memref<16x2048xf32, #tpu.memory_space<vmem>>, vector<1x16xf32>,
        %get3A_229 = vector.shape_cast %get3A_228 : vector<1x16xf32> to vector<16xf32>
        %mul3A_230 = arith.mulf %get3A_138, %get3A_229 : vector<16xf32>
        %get3A_231 = arith.constant 1 : i32
        %get3A_232 = arith.index_cast %get3A_231 : i32 to index
        %get3A_233 = arith.index_cast %mul3A_224 : i32 to index
        %get3A_234 = tpu.vector_load %arg11[%get3A_232, %get3A_233] {strides = array<i32>} : memref<16x2048xf32, #tpu.memory_space<vmem>>, vector<1x16xf32>,
        %get3A_235 = vector.shape_cast %get3A_234 : vector<1x16xf32> to vector<16xf32>
        %mul3A_236 = arith.mulf %get3A_143, %get3A_235 : vector<16xf32>
        %add3A_237 = arith.addf %mul3A_230, %mul3A_236 : vector<16xf32>
        %get3A_238 = arith.constant 2 : i32
        %get3A_239 = arith.index_cast %get3A_238 : i32 to index
        %get3A_240 = arith.index_cast %mul3A_224 : i32 to index
        %get3A_241 = tpu.vector_load %arg11[%get3A_239, %get3A_240] {strides = array<i32>} : memref<16x2048xf32, #tpu.memory_space<vmem>>, vector<1x16xf32>,
        %get3A_242 = vector.shape_cast %get3A_241 : vector<1x16xf32> to vector<16xf32>
        %mul3A_243 = arith.mulf %get3A_148, %get3A_242 : vector<16xf32>
        %get3A_244 = arith.constant 3 : i32
        %get3A_245 = arith.index_cast %get3A_244 : i32 to index
        %get3A_246 = arith.index_cast %mul3A_224 : i32 to index
        %get3A_247 = tpu.vector_load %arg11[%get3A_245, %get3A_246] {strides = array<i32>} : memref<16x2048xf32, #tpu.memory_space<vmem>>, vector<1x16xf32>,
        %get3A_248 = vector.shape_cast %get3A_247 : vector<1x16xf32> to vector<16xf32>
        %mul3A_249 = arith.mulf %get3A_153, %get3A_248 : vector<16xf32>
        %add3A_250 = arith.addf %mul3A_243, %mul3A_249 : vector<16xf32>
        %get3A_251 = arith.constant 0 : i32
        %get3A_252 = arith.index_cast %get3A_251 : i32 to index
        %get3A_253 = arith.index_cast %mul3A_224 : i32 to index
        %get3A_254 = tpu.vector_load %arg12[%get3A_252, %get3A_253] {strides = array<i32>} : memref<4x2048xf32, #tpu.memory_space<vmem>>, vector<1x16xf32>,
        %get3A_255 = vector.shape_cast %get3A_254 : vector<1x16xf32> to vector<16xf32>
        %add3A_256 = arith.addf %add3A_237, %add3A_250 : vector<16xf32>
        %add3A_257 = arith.addf %get3A_255, %add3A_256 : vector<16xf32>
        %swap3A = arith.constant 0 : i32
        %swap3A_258 = arith.index_cast %swap3A : i32 to index
        %swap3A_259 = arith.index_cast %mul3A_224 : i32 to index
        %swap3A_260 = tpu.vector_load %arg12[%swap3A_258, %swap3A_259] {strides = array<i32>} : memref<4x2048xf32, #tpu.memory_space<vmem>>, vector<1x16xf32>,
        %swap3A_261 = vector.shape_cast %swap3A_260 : vector<1x16xf32> to vector<16xf32>
        %swap3A_262 = vector.shape_cast %add3A_257 : vector<16xf32> to vector<1x16xf32>
        tpu.vector_store %arg12[%swap3A_258, %swap3A_259], %swap3A_262 {strides = array<i32>} : memref<4x2048xf32, #tpu.memory_space<vmem>>, vector<1x16xf32>,
        %get3A_263 = arith.constant 4 : i32
        %get3A_264 = arith.index_cast %get3A_263 : i32 to index
        %get3A_265 = arith.index_cast %mul3A_224 : i32 to index
        %get3A_266 = tpu.vector_load %arg11[%get3A_264, %get3A_265] {strides = array<i32>} : memref<16x2048xf32, #tpu.memory_space<vmem>>, vector<1x16xf32>,
        %get3A_267 = vector.shape_cast %get3A_266 : vector<1x16xf32> to vector<16xf32>
        %mul3A_268 = arith.mulf %get3A_158, %get3A_267 : vector<16xf32>
        %get3A_269 = arith.constant 5 : i32
        %get3A_270 = arith.index_cast %get3A_269 : i32 to index
        %get3A_271 = arith.index_cast %mul3A_224 : i32 to index
        %get3A_272 = tpu.vector_load %arg11[%get3A_270, %get3A_271] {strides = array<i32>} : memref<16x2048xf32, #tpu.memory_space<vmem>>, vector<1x16xf32>,
        %get3A_273 = vector.shape_cast %get3A_272 : vector<1x16xf32> to vector<16xf32>
        %mul3A_274 = arith.mulf %get3A_163, %get3A_273 : vector<16xf32>
        %add3A_275 = arith.addf %mul3A_268, %mul3A_274 : vector<16xf32>
        %get3A_276 = arith.constant 6 : i32
        %get3A_277 = arith.index_cast %get3A_276 : i32 to index
        %get3A_278 = arith.index_cast %mul3A_224 : i32 to index
        %get3A_279 = tpu.vector_load %arg11[%get3A_277, %get3A_278] {strides = array<i32>} : memref<16x2048xf32, #tpu.memory_space<vmem>>, vector<1x16xf32>,
        %get3A_280 = vector.shape_cast %get3A_279 : vector<1x16xf32> to vector<16xf32>
        %mul3A_281 = arith.mulf %get3A_168, %get3A_280 : vector<16xf32>
        %get3A_282 = arith.constant 7 : i32
        %get3A_283 = arith.index_cast %get3A_282 : i32 to index
        %get3A_284 = arith.index_cast %mul3A_224 : i32 to index
        %get3A_285 = tpu.vector_load %arg11[%get3A_283, %get3A_284] {strides = array<i32>} : memref<16x2048xf32, #tpu.memory_space<vmem>>, vector<1x16xf32>,
        %get3A_286 = vector.shape_cast %get3A_285 : vector<1x16xf32> to vector<16xf32>
        %mul3A_287 = arith.mulf %get3A_173, %get3A_286 : vector<16xf32>
        %add3A_288 = arith.addf %mul3A_281, %mul3A_287 : vector<16xf32>
        %get3A_289 = arith.constant 1 : i32
        %get3A_290 = arith.index_cast %get3A_289 : i32 to index
        %get3A_291 = arith.index_cast %mul3A_224 : i32 to index
        %get3A_292 = tpu.vector_load %arg12[%get3A_290, %get3A_291] {strides = array<i32>} : memref<4x2048xf32, #tpu.memory_space<vmem>>, vector<1x16xf32>,
        %get3A_293 = vector.shape_cast %get3A_292 : vector<1x16xf32> to vector<16xf32>
        %add3A_294 = arith.addf %add3A_275, %add3A_288 : vector<16xf32>
        %add3A_295 = arith.addf %get3A_293, %add3A_294 : vector<16xf32>
        %swap3A_296 = arith.constant 1 : i32
        %swap3A_297 = arith.index_cast %swap3A_296 : i32 to index
        %swap3A_298 = arith.index_cast %mul3A_224 : i32 to index
        %swap3A_299 = tpu.vector_load %arg12[%swap3A_297, %swap3A_298] {strides = array<i32>} : memref<4x2048xf32, #tpu.memory_space<vmem>>, vector<1x16xf32>,
        %swap3A_300 = vector.shape_cast %swap3A_299 : vector<1x16xf32> to vector<16xf32>
        %swap3A_301 = vector.shape_cast %add3A_295 : vector<16xf32> to vector<1x16xf32>
        tpu.vector_store %arg12[%swap3A_297, %swap3A_298], %swap3A_301 {strides = array<i32>} : memref<4x2048xf32, #tpu.memory_space<vmem>>, vector<1x16xf32>,
        %get3A_302 = arith.constant 8 : i32
        %get3A_303 = arith.index_cast %get3A_302 : i32 to index
        %get3A_304 = arith.index_cast %mul3A_224 : i32 to index
        %get3A_305 = tpu.vector_load %arg11[%get3A_303, %get3A_304] {strides = array<i32>} : memref<16x2048xf32, #tpu.memory_space<vmem>>, vector<1x16xf32>,
        %get3A_306 = vector.shape_cast %get3A_305 : vector<1x16xf32> to vector<16xf32>
        %mul3A_307 = arith.mulf %get3A_178, %get3A_306 : vector<16xf32>
        %get3A_308 = arith.constant 9 : i32
        %get3A_309 = arith.index_cast %get3A_308 : i32 to index
        %get3A_310 = arith.index_cast %mul3A_224 : i32 to index
        %get3A_311 = tpu.vector_load %arg11[%get3A_309, %get3A_310] {strides = array<i32>} : memref<16x2048xf32, #tpu.memory_space<vmem>>, vector<1x16xf32>,
        %get3A_312 = vector.shape_cast %get3A_311 : vector<1x16xf32> to vector<16xf32>
        %mul3A_313 = arith.mulf %get3A_183, %get3A_312 : vector<16xf32>
        %add3A_314 = arith.addf %mul3A_307, %mul3A_313 : vector<16xf32>
        %get3A_315 = arith.constant 10 : i32
        %get3A_316 = arith.index_cast %get3A_315 : i32 to index
        %get3A_317 = arith.index_cast %mul3A_224 : i32 to index
        %get3A_318 = tpu.vector_load %arg11[%get3A_316, %get3A_317] {strides = array<i32>} : memref<16x2048xf32, #tpu.memory_space<vmem>>, vector<1x16xf32>,
        %get3A_319 = vector.shape_cast %get3A_318 : vector<1x16xf32> to vector<16xf32>
        %mul3A_320 = arith.mulf %get3A_188, %get3A_319 : vector<16xf32>
        %get3A_321 = arith.constant 11 : i32
        %get3A_322 = arith.index_cast %get3A_321 : i32 to index
        %get3A_323 = arith.index_cast %mul3A_224 : i32 to index
        %get3A_324 = tpu.vector_load %arg11[%get3A_322, %get3A_323] {strides = array<i32>} : memref<16x2048xf32, #tpu.memory_space<vmem>>, vector<1x16xf32>,
        %get3A_325 = vector.shape_cast %get3A_324 : vector<1x16xf32> to vector<16xf32>
        %mul3A_326 = arith.mulf %get3A_193, %get3A_325 : vector<16xf32>
        %add3A_327 = arith.addf %mul3A_320, %mul3A_326 : vector<16xf32>
        %get3A_328 = arith.constant 2 : i32
        %get3A_329 = arith.index_cast %get3A_328 : i32 to index
        %get3A_330 = arith.index_cast %mul3A_224 : i32 to index
        %get3A_331 = tpu.vector_load %arg12[%get3A_329, %get3A_330] {strides = array<i32>} : memref<4x2048xf32, #tpu.memory_space<vmem>>, vector<1x16xf32>,
        %get3A_332 = vector.shape_cast %get3A_331 : vector<1x16xf32> to vector<16xf32>
        %add3A_333 = arith.addf %add3A_314, %add3A_327 : vector<16xf32>
        %add3A_334 = arith.addf %get3A_332, %add3A_333 : vector<16xf32>
        %swap3A_335 = arith.constant 2 : i32
        %swap3A_336 = arith.index_cast %swap3A_335 : i32 to index
        %swap3A_337 = arith.index_cast %mul3A_224 : i32 to index
        %swap3A_338 = tpu.vector_load %arg12[%swap3A_336, %swap3A_337] {strides = array<i32>} : memref<4x2048xf32, #tpu.memory_space<vmem>>, vector<1x16xf32>,
        %swap3A_339 = vector.shape_cast %swap3A_338 : vector<1x16xf32> to vector<16xf32>
        %swap3A_340 = vector.shape_cast %add3A_334 : vector<16xf32> to vector<1x16xf32>
        tpu.vector_store %arg12[%swap3A_336, %swap3A_337], %swap3A_340 {strides = array<i32>} : memref<4x2048xf32, #tpu.memory_space<vmem>>, vector<1x16xf32>,
        %get3A_341 = arith.constant 12 : i32
        %get3A_342 = arith.index_cast %get3A_341 : i32 to index
        %get3A_343 = arith.index_cast %mul3A_224 : i32 to index
        %get3A_344 = tpu.vector_load %arg11[%get3A_342, %get3A_343] {strides = array<i32>} : memref<16x2048xf32, #tpu.memory_space<vmem>>, vector<1x16xf32>,
        %get3A_345 = vector.shape_cast %get3A_344 : vector<1x16xf32> to vector<16xf32>
        %mul3A_346 = arith.mulf %get3A_198, %get3A_345 : vector<16xf32>
        %get3A_347 = arith.constant 13 : i32
        %get3A_348 = arith.index_cast %get3A_347 : i32 to index
        %get3A_349 = arith.index_cast %mul3A_224 : i32 to index
        %get3A_350 = tpu.vector_load %arg11[%get3A_348, %get3A_349] {strides = array<i32>} : memref<16x2048xf32, #tpu.memory_space<vmem>>, vector<1x16xf32>,
        %get3A_351 = vector.shape_cast %get3A_350 : vector<1x16xf32> to vector<16xf32>
        %mul3A_352 = arith.mulf %get3A_203, %get3A_351 : vector<16xf32>
        %add3A_353 = arith.addf %mul3A_346, %mul3A_352 : vector<16xf32>
        %get3A_354 = arith.constant 14 : i32
        %get3A_355 = arith.index_cast %get3A_354 : i32 to index
        %get3A_356 = arith.index_cast %mul3A_224 : i32 to index
        %get3A_357 = tpu.vector_load %arg11[%get3A_355, %get3A_356] {strides = array<i32>} : memref<16x2048xf32, #tpu.memory_space<vmem>>, vector<1x16xf32>,
        %get3A_358 = vector.shape_cast %get3A_357 : vector<1x16xf32> to vector<16xf32>
        %mul3A_359 = arith.mulf %get3A_208, %get3A_358 : vector<16xf32>
        %get3A_360 = arith.constant 15 : i32
        %get3A_361 = arith.index_cast %get3A_360 : i32 to index
        %get3A_362 = arith.index_cast %mul3A_224 : i32 to index
        %get3A_363 = tpu.vector_load %arg11[%get3A_361, %get3A_362] {strides = array<i32>} : memref<16x2048xf32, #tpu.memory_space<vmem>>, vector<1x16xf32>,
        %get3A_364 = vector.shape_cast %get3A_363 : vector<1x16xf32> to vector<16xf32>
        %mul3A_365 = arith.mulf %get3A_213, %get3A_364 : vector<16xf32>
        %add3A_366 = arith.addf %mul3A_359, %mul3A_365 : vector<16xf32>
        %get3A_367 = arith.constant 3 : i32
        %get3A_368 = arith.index_cast %get3A_367 : i32 to index
        %get3A_369 = arith.index_cast %mul3A_224 : i32 to index
        %get3A_370 = tpu.vector_load %arg12[%get3A_368, %get3A_369] {strides = array<i32>} : memref<4x2048xf32, #tpu.memory_space<vmem>>, vector<1x16xf32>,
        %get3A_371 = vector.shape_cast %get3A_370 : vector<1x16xf32> to vector<16xf32>
        %add3A_372 = arith.addf %add3A_353, %add3A_366 : vector<16xf32>
        %add3A_373 = arith.addf %get3A_371, %add3A_372 : vector<16xf32>
        %swap3A_374 = arith.constant 3 : i32
        %swap3A_375 = arith.index_cast %swap3A_374 : i32 to index
        %swap3A_376 = arith.index_cast %mul3A_224 : i32 to index
        %swap3A_377 = tpu.vector_load %arg12[%swap3A_375, %swap3A_376] {strides = array<i32>} : memref<4x2048xf32, #tpu.memory_space<vmem>>, vector<1x16xf32>,
        %swap3A_378 = vector.shape_cast %swap3A_377 : vector<1x16xf32> to vector<16xf32>
        %swap3A_379 = vector.shape_cast %add3A_373 : vector<16xf32> to vector<1x16xf32>
        tpu.vector_store %arg12[%swap3A_375, %swap3A_376], %swap3A_379 {strides = array<i32>} : memref<4x2048xf32, #tpu.memory_space<vmem>>, vector<1x16xf32>,
        %scan3A_380 = arith.constant 0 : i32
        %scan3A_381 = arith.constant 1 : i32
        %scan3A_382 = arith.addi %scan3A_221, %scan3A_381 : i32
        %mul3A_383 = arith.constant 16 : i32
        %mul3A_384 = arith.muli %scan3A_382, %mul3A_383 : i32
        %get3A_385 = arith.constant 0 : i32
        %get3A_386 = arith.index_cast %get3A_385 : i32 to index
        %get3A_387 = arith.index_cast %mul3A_384 : i32 to index
        %get3A_388 = tpu.vector_load %arg11[%get3A_386, %get3A_387] {strides = array<i32>} : memref<16x2048xf32, #tpu.memory_space<vmem>>, vector<1x16xf32>,
        %get3A_389 = vector.shape_cast %get3A_388 : vector<1x16xf32> to vector<16xf32>
        %mul3A_390 = arith.mulf %get3A_138, %get3A_389 : vector<16xf32>
        %get3A_391 = arith.constant 1 : i32
        %get3A_392 = arith.index_cast %get3A_391 : i32 to index
        %get3A_393 = arith.index_cast %mul3A_384 : i32 to index
        %get3A_394 = tpu.vector_load %arg11[%get3A_392, %get3A_393] {strides = array<i32>} : memref<16x2048xf32, #tpu.memory_space<vmem>>, vector<1x16xf32>,
        %get3A_395 = vector.shape_cast %get3A_394 : vector<1x16xf32> to vector<16xf32>
        %mul3A_396 = arith.mulf %get3A_143, %get3A_395 : vector<16xf32>
        %add3A_397 = arith.addf %mul3A_390, %mul3A_396 : vector<16xf32>
        %get3A_398 = arith.constant 2 : i32
        %get3A_399 = arith.index_cast %get3A_398 : i32 to index
        %get3A_400 = arith.index_cast %mul3A_384 : i32 to index
        %get3A_401 = tpu.vector_load %arg11[%get3A_399, %get3A_400] {strides = array<i32>} : memref<16x2048xf32, #tpu.memory_space<vmem>>, vector<1x16xf32>,
        %get3A_402 = vector.shape_cast %get3A_401 : vector<1x16xf32> to vector<16xf32>
        %mul3A_403 = arith.mulf %get3A_148, %get3A_402 : vector<16xf32>
        %get3A_404 = arith.constant 3 : i32
        %get3A_405 = arith.index_cast %get3A_404 : i32 to index
        %get3A_406 = arith.index_cast %mul3A_384 : i32 to index
        %get3A_407 = tpu.vector_load %arg11[%get3A_405, %get3A_406] {strides = array<i32>} : memref<16x2048xf32, #tpu.memory_space<vmem>>, vector<1x16xf32>,
        %get3A_408 = vector.shape_cast %get3A_407 : vector<1x16xf32> to vector<16xf32>
        %mul3A_409 = arith.mulf %get3A_153, %get3A_408 : vector<16xf32>
        %add3A_410 = arith.addf %mul3A_403, %mul3A_409 : vector<16xf32>
        %get3A_411 = arith.constant 0 : i32
        %get3A_412 = arith.index_cast %get3A_411 : i32 to index
        %get3A_413 = arith.index_cast %mul3A_384 : i32 to index
        %get3A_414 = tpu.vector_load %arg12[%get3A_412, %get3A_413] {strides = array<i32>} : memref<4x2048xf32, #tpu.memory_space<vmem>>, vector<1x16xf32>,
        %get3A_415 = vector.shape_cast %get3A_414 : vector<1x16xf32> to vector<16xf32>
        %add3A_416 = arith.addf %add3A_397, %add3A_410 : vector<16xf32>
        %add3A_417 = arith.addf %get3A_415, %add3A_416 : vector<16xf32>
        %swap3A_418 = arith.constant 0 : i32
        %swap3A_419 = arith.index_cast %swap3A_418 : i32 to index
        %swap3A_420 = arith.index_cast %mul3A_384 : i32 to index
        %swap3A_421 = tpu.vector_load %arg12[%swap3A_419, %swap3A_420] {strides = array<i32>} : memref<4x2048xf32, #tpu.memory_space<vmem>>, vector<1x16xf32>,
        %swap3A_422 = vector.shape_cast %swap3A_421 : vector<1x16xf32> to vector<16xf32>
        %swap3A_423 = vector.shape_cast %add3A_417 : vector<16xf32> to vector<1x16xf32>
        tpu.vector_store %arg12[%swap3A_419, %swap3A_420], %swap3A_423 {strides = array<i32>} : memref<4x2048xf32, #tpu.memory_space<vmem>>, vector<1x16xf32>,
        %get3A_424 = arith.constant 4 : i32
        %get3A_425 = arith.index_cast %get3A_424 : i32 to index
        %get3A_426 = arith.index_cast %mul3A_384 : i32 to index
        %get3A_427 = tpu.vector_load %arg11[%get3A_425, %get3A_426] {strides = array<i32>} : memref<16x2048xf32, #tpu.memory_space<vmem>>, vector<1x16xf32>,
        %get3A_428 = vector.shape_cast %get3A_427 : vector<1x16xf32> to vector<16xf32>
        %mul3A_429 = arith.mulf %get3A_158, %get3A_428 : vector<16xf32>
        %get3A_430 = arith.constant 5 : i32
        %get3A_431 = arith.index_cast %get3A_430 : i32 to index
        %get3A_432 = arith.index_cast %mul3A_384 : i32 to index
        %get3A_433 = tpu.vector_load %arg11[%get3A_431, %get3A_432] {strides = array<i32>} : memref<16x2048xf32, #tpu.memory_space<vmem>>, vector<1x16xf32>,
        %get3A_434 = vector.shape_cast %get3A_433 : vector<1x16xf32> to vector<16xf32>
        %mul3A_435 = arith.mulf %get3A_163, %get3A_434 : vector<16xf32>
        %add3A_436 = arith.addf %mul3A_429, %mul3A_435 : vector<16xf32>
        %get3A_437 = arith.constant 6 : i32
        %get3A_438 = arith.index_cast %get3A_437 : i32 to index
        %get3A_439 = arith.index_cast %mul3A_384 : i32 to index
        %get3A_440 = tpu.vector_load %arg11[%get3A_438, %get3A_439] {strides = array<i32>} : memref<16x2048xf32, #tpu.memory_space<vmem>>, vector<1x16xf32>,
        %get3A_441 = vector.shape_cast %get3A_440 : vector<1x16xf32> to vector<16xf32>
        %mul3A_442 = arith.mulf %get3A_168, %get3A_441 : vector<16xf32>
        %get3A_443 = arith.constant 7 : i32
        %get3A_444 = arith.index_cast %get3A_443 : i32 to index
        %get3A_445 = arith.index_cast %mul3A_384 : i32 to index
        %get3A_446 = tpu.vector_load %arg11[%get3A_444, %get3A_445] {strides = array<i32>} : memref<16x2048xf32, #tpu.memory_space<vmem>>, vector<1x16xf32>,
        %get3A_447 = vector.shape_cast %get3A_446 : vector<1x16xf32> to vector<16xf32>
        %mul3A_448 = arith.mulf %get3A_173, %get3A_447 : vector<16xf32>
        %add3A_449 = arith.addf %mul3A_442, %mul3A_448 : vector<16xf32>
        %get3A_450 = arith.constant 1 : i32
        %get3A_451 = arith.index_cast %get3A_450 : i32 to index
        %get3A_452 = arith.index_cast %mul3A_384 : i32 to index
        %get3A_453 = tpu.vector_load %arg12[%get3A_451, %get3A_452] {strides = array<i32>} : memref<4x2048xf32, #tpu.memory_space<vmem>>, vector<1x16xf32>,
        %get3A_454 = vector.shape_cast %get3A_453 : vector<1x16xf32> to vector<16xf32>
        %add3A_455 = arith.addf %add3A_436, %add3A_449 : vector<16xf32>
        %add3A_456 = arith.addf %get3A_454, %add3A_455 : vector<16xf32>
        %swap3A_457 = arith.constant 1 : i32
        %swap3A_458 = arith.index_cast %swap3A_457 : i32 to index
        %swap3A_459 = arith.index_cast %mul3A_384 : i32 to index
        %swap3A_460 = tpu.vector_load %arg12[%swap3A_458, %swap3A_459] {strides = array<i32>} : memref<4x2048xf32, #tpu.memory_space<vmem>>, vector<1x16xf32>,
        %swap3A_461 = vector.shape_cast %swap3A_460 : vector<1x16xf32> to vector<16xf32>
        %swap3A_462 = vector.shape_cast %add3A_456 : vector<16xf32> to vector<1x16xf32>
        tpu.vector_store %arg12[%swap3A_458, %swap3A_459], %swap3A_462 {strides = array<i32>} : memref<4x2048xf32, #tpu.memory_space<vmem>>, vector<1x16xf32>,
        %get3A_463 = arith.constant 8 : i32
        %get3A_464 = arith.index_cast %get3A_463 : i32 to index
        %get3A_465 = arith.index_cast %mul3A_384 : i32 to index
        %get3A_466 = tpu.vector_load %arg11[%get3A_464, %get3A_465] {strides = array<i32>} : memref<16x2048xf32, #tpu.memory_space<vmem>>, vector<1x16xf32>,
        %get3A_467 = vector.shape_cast %get3A_466 : vector<1x16xf32> to vector<16xf32>
        %mul3A_468 = arith.mulf %get3A_178, %get3A_467 : vector<16xf32>
        %get3A_469 = arith.constant 9 : i32
        %get3A_470 = arith.index_cast %get3A_469 : i32 to index
        %get3A_471 = arith.index_cast %mul3A_384 : i32 to index
        %get3A_472 = tpu.vector_load %arg11[%get3A_470, %get3A_471] {strides = array<i32>} : memref<16x2048xf32, #tpu.memory_space<vmem>>, vector<1x16xf32>,
        %get3A_473 = vector.shape_cast %get3A_472 : vector<1x16xf32> to vector<16xf32>
        %mul3A_474 = arith.mulf %get3A_183, %get3A_473 : vector<16xf32>
        %add3A_475 = arith.addf %mul3A_468, %mul3A_474 : vector<16xf32>
        %get3A_476 = arith.constant 10 : i32
        %get3A_477 = arith.index_cast %get3A_476 : i32 to index
        %get3A_478 = arith.index_cast %mul3A_384 : i32 to index
        %get3A_479 = tpu.vector_load %arg11[%get3A_477, %get3A_478] {strides = array<i32>} : memref<16x2048xf32, #tpu.memory_space<vmem>>, vector<1x16xf32>,
        %get3A_480 = vector.shape_cast %get3A_479 : vector<1x16xf32> to vector<16xf32>
        %mul3A_481 = arith.mulf %get3A_188, %get3A_480 : vector<16xf32>
        %get3A_482 = arith.constant 11 : i32
        %get3A_483 = arith.index_cast %get3A_482 : i32 to index
        %get3A_484 = arith.index_cast %mul3A_384 : i32 to index
        %get3A_485 = tpu.vector_load %arg11[%get3A_483, %get3A_484] {strides = array<i32>} : memref<16x2048xf32, #tpu.memory_space<vmem>>, vector<1x16xf32>,
        %get3A_486 = vector.shape_cast %get3A_485 : vector<1x16xf32> to vector<16xf32>
        %mul3A_487 = arith.mulf %get3A_193, %get3A_486 : vector<16xf32>
        %add3A_488 = arith.addf %mul3A_481, %mul3A_487 : vector<16xf32>
        %get3A_489 = arith.constant 2 : i32
        %get3A_490 = arith.index_cast %get3A_489 : i32 to index
        %get3A_491 = arith.index_cast %mul3A_384 : i32 to index
        %get3A_492 = tpu.vector_load %arg12[%get3A_490, %get3A_491] {strides = array<i32>} : memref<4x2048xf32, #tpu.memory_space<vmem>>, vector<1x16xf32>,
        %get3A_493 = vector.shape_cast %get3A_492 : vector<1x16xf32> to vector<16xf32>
        %add3A_494 = arith.addf %add3A_475, %add3A_488 : vector<16xf32>
        %add3A_495 = arith.addf %get3A_493, %add3A_494 : vector<16xf32>
        %swap3A_496 = arith.constant 2 : i32
        %swap3A_497 = arith.index_cast %swap3A_496 : i32 to index
        %swap3A_498 = arith.index_cast %mul3A_384 : i32 to index
        %swap3A_499 = tpu.vector_load %arg12[%swap3A_497, %swap3A_498] {strides = array<i32>} : memref<4x2048xf32, #tpu.memory_space<vmem>>, vector<1x16xf32>,
        %swap3A_500 = vector.shape_cast %swap3A_499 : vector<1x16xf32> to vector<16xf32>
        %swap3A_501 = vector.shape_cast %add3A_495 : vector<16xf32> to vector<1x16xf32>
        tpu.vector_store %arg12[%swap3A_497, %swap3A_498], %swap3A_501 {strides = array<i32>} : memref<4x2048xf32, #tpu.memory_space<vmem>>, vector<1x16xf32>,
        %get3A_502 = arith.constant 12 : i32
        %get3A_503 = arith.index_cast %get3A_502 : i32 to index
        %get3A_504 = arith.index_cast %mul3A_384 : i32 to index
        %get3A_505 = tpu.vector_load %arg11[%get3A_503, %get3A_504] {strides = array<i32>} : memref<16x2048xf32, #tpu.memory_space<vmem>>, vector<1x16xf32>,
        %get3A_506 = vector.shape_cast %get3A_505 : vector<1x16xf32> to vector<16xf32>
        %mul3A_507 = arith.mulf %get3A_198, %get3A_506 : vector<16xf32>
        %get3A_508 = arith.constant 13 : i32
        %get3A_509 = arith.index_cast %get3A_508 : i32 to index
        %get3A_510 = arith.index_cast %mul3A_384 : i32 to index
        %get3A_511 = tpu.vector_load %arg11[%get3A_509, %get3A_510] {strides = array<i32>} : memref<16x2048xf32, #tpu.memory_space<vmem>>, vector<1x16xf32>,
        %get3A_512 = vector.shape_cast %get3A_511 : vector<1x16xf32> to vector<16xf32>
        %mul3A_513 = arith.mulf %get3A_203, %get3A_512 : vector<16xf32>
        %add3A_514 = arith.addf %mul3A_507, %mul3A_513 : vector<16xf32>
        %get3A_515 = arith.constant 14 : i32
        %get3A_516 = arith.index_cast %get3A_515 : i32 to index
        %get3A_517 = arith.index_cast %mul3A_384 : i32 to index
        %get3A_518 = tpu.vector_load %arg11[%get3A_516, %get3A_517] {strides = array<i32>} : memref<16x2048xf32, #tpu.memory_space<vmem>>, vector<1x16xf32>,
        %get3A_519 = vector.shape_cast %get3A_518 : vector<1x16xf32> to vector<16xf32>
        %mul3A_520 = arith.mulf %get3A_208, %get3A_519 : vector<16xf32>
        %get3A_521 = arith.constant 15 : i32
        %get3A_522 = arith.index_cast %get3A_521 : i32 to index
        %get3A_523 = arith.index_cast %mul3A_384 : i32 to index
        %get3A_524 = tpu.vector_load %arg11[%get3A_522, %get3A_523] {strides = array<i32>} : memref<16x2048xf32, #tpu.memory_space<vmem>>, vector<1x16xf32>,
        %get3A_525 = vector.shape_cast %get3A_524 : vector<1x16xf32> to vector<16xf32>
        %mul3A_526 = arith.mulf %get3A_213, %get3A_525 : vector<16xf32>
        %add3A_527 = arith.addf %mul3A_520, %mul3A_526 : vector<16xf32>
        %get3A_528 = arith.constant 3 : i32
        %get3A_529 = arith.index_cast %get3A_528 : i32 to index
        %get3A_530 = arith.index_cast %mul3A_384 : i32 to index
        %get3A_531 = tpu.vector_load %arg12[%get3A_529, %get3A_530] {strides = array<i32>} : memref<4x2048xf32, #tpu.memory_space<vmem>>, vector<1x16xf32>,
        %get3A_532 = vector.shape_cast %get3A_531 : vector<1x16xf32> to vector<16xf32>
        %add3A_533 = arith.addf %add3A_514, %add3A_527 : vector<16xf32>
        %add3A_534 = arith.addf %get3A_532, %add3A_533 : vector<16xf32>
        %swap3A_535 = arith.constant 3 : i32
        %swap3A_536 = arith.index_cast %swap3A_535 : i32 to index
        %swap3A_537 = arith.index_cast %mul3A_384 : i32 to index
        %swap3A_538 = tpu.vector_load %arg12[%swap3A_536, %swap3A_537] {strides = array<i32>} : memref<4x2048xf32, #tpu.memory_space<vmem>>, vector<1x16xf32>,
        %swap3A_539 = vector.shape_cast %swap3A_538 : vector<1x16xf32> to vector<16xf32>
        %swap3A_540 = vector.shape_cast %add3A_534 : vector<16xf32> to vector<1x16xf32>
        tpu.vector_store %arg12[%swap3A_536, %swap3A_537], %swap3A_540 {strides = array<i32>} : memref<4x2048xf32, #tpu.memory_space<vmem>>, vector<1x16xf32>,
        %scan3A_541 = arith.constant 0 : i32
        scf.yield %scan3A_541 : i32
      }
      %scan3A_220 = arith.constant 128 : i32
      "tpu.region"() ({
        %run_scoped3A = tpu.sem_alloc : memref<!tpu.dma_semaphore, #tpu.memory_space<semaphore_mem>>
        %dma_start3A_221 = arith.constant 0 : i32
        %dma_start3A_222 = tpu.memref_slice %arg6[%add3A_128, %dma_start3A_221] : memref<2048x2048xf32, #tpu.memory_space<hbm>> -> memref<4x2048xf32, #tpu.memory_space<hbm>>
        %dma_start3A_223 = arith.constant 0 : i32
        %dma_start3A_224 = tpu.memref_slice %arg6[%add3A_128, %dma_start3A_223] : memref<2048x2048xf32, #tpu.memory_space<hbm>> -> memref<4x2048xf32, #tpu.memory_space<hbm>>
        tpu.enqueue_dma source(%arg12 : memref<4x2048xf32, #tpu.memory_space<vmem>>) target(%dma_start3A_224 : memref<4x2048xf32, #tpu.memory_space<hbm>>) target_semaphore(%run_scoped3A : memref<!tpu.dma_semaphore, #tpu.memory_space<semaphore_mem>>)
        %dma_wait3A_225 = arith.constant 0 : i32
        %dma_wait3A_226 = tpu.memref_slice %arg6[%add3A_128, %dma_wait3A_225] : memref<2048x2048xf32, #tpu.memory_space<hbm>> -> memref<4x2048xf32, #tpu.memory_space<hbm>>
        %dma_wait3A_227 = arith.constant 0 : i32
        %dma_wait3A_228 = tpu.memref_slice %arg6[%add3A_128, %dma_wait3A_227] : memref<2048x2048xf32, #tpu.memory_space<hbm>> -> memref<4x2048xf32, #tpu.memory_space<hbm>>
        tpu.wait_dma2 semaphore(%run_scoped3A : memref<!tpu.dma_semaphore, #tpu.memory_space<semaphore_mem>>) src(%arg12 : memref<4x2048xf32, #tpu.memory_space<vmem>>) dst(%dma_wait3A_228 : memref<4x2048xf32, #tpu.memory_space<hbm>>)
        tpu.yield
      }) : () -> ()
    }
    %scan3A_13 = arith.constant 8 : i32
    return
  }
}

module attributes {stable_mosaic.version = 14 : i64} {
  func.func @_topk_body(%arg0: i32, %arg1: i32, %arg2: memref<1xf32, #tpu.memory_space<smem>>, %arg3: memref<512x2048xf32, #tpu.memory_space<vmem>>, %arg4: memref<2048x64xf32, #tpu.memory_space<vmem>>, %arg5: memref<2048x64xf32, #tpu.memory_space<vmem>>, %arg6: memref<512x128xf32, #tpu.memory_space<vmem>>, %arg7: memref<512x128xf32, #tpu.memory_space<vmem>>, %arg8: memref<512x64xf32, #tpu.memory_space<vmem>>) attributes {dimension_semantics = [#tpu.dimension_semantics<arbitrary>, #tpu.dimension_semantics<arbitrary>], iteration_bounds = array<i64: 4, 49>, scalar_prefetch = 0 : i64, scratch_operands = 1 : i64, tpu.core_type = #tpu.core_type<tc>, window_params = [{transform_indices = @transform_0, window_bounds = array<i64: 1>}, {transform_indices = @transform_1, window_bounds = array<i64: 512, 2048>}, {pipeline_mode = #tpu.pipeline_mode<synchronous>, transform_indices = @transform_2, window_bounds = array<i64: 2048, 64>}, {transform_indices = @transform_3, window_bounds = array<i64: 2048, 64>}, {transform_indices = @transform_4, window_bounds = array<i64: 512, 128>}, {transform_indices = @transform_5, window_bounds = array<i64: 512, 128>}]} {
    %eq3A = arith.constant 0 : i32
    %eq3A_0 = arith.cmpi eq, %arg1, %eq3A : i32
    %convert_element_type3A = arith.extui %eq3A_0 : i1 to i32
    %cond3A = arith.constant 0 : i32
    %cond3A_1 = arith.cmpi ne, %convert_element_type3A, %cond3A : i32
    scf.if %cond3A_1 {
      %get3A_96 = arith.constant 0 : index
      %get3A_97 = arith.constant 0 : index
      %get3A_98 = vector.load %arg3[%get3A_96, %get3A_97] : memref<512x2048xf32, #tpu.memory_space<vmem>>, vector<512x2048xf32>
      %get3A_99 = arith.constant 0 : index
      %get3A_100 = arith.constant 0 : index
      %get3A_101 = vector.load %arg4[%get3A_99, %get3A_100] : memref<2048x64xf32, #tpu.memory_space<vmem>>, vector<2048x64xf32>
      %dot_general3A_102 = arith.constant dense<0.000000e+00> : vector<512x64xf32>
      %dot_general3A_103 = tpu.matmul %get3A_98, %get3A_101, %dot_general3A_102 {dimension_numbers = #tpu.dot_dimension_numbers<[1], [0], [0], [1], [0, 0, 1, 1], [], []>, transpose_lhs_hint = false} : vector<512x2048xf32>, vector<2048x64xf32>, vector<512x64xf32> -> vector<512x64xf32>
      %swap3A_104 = arith.constant 0 : index
      %swap3A_105 = arith.constant 0 : index
      %swap3A_106 = vector.load %arg8[%swap3A_104, %swap3A_105] : memref<512x64xf32, #tpu.memory_space<vmem>>, vector<512x64xf32>
      tpu.vector_store %arg8[%swap3A_104, %swap3A_105], %dot_general3A_103 {strides = array<i32>} : memref<512x64xf32, #tpu.memory_space<vmem>>, vector<512x64xf32>,
      %broadcast_in_dim3A_107 = arith.constant 0xFF800000 : f32
      %broadcast_in_dim3A_108 = vector.broadcast %broadcast_in_dim3A_107 : f32 to vector<512x128xf32>
      %swap3A_109 = arith.constant 0 : index
      %swap3A_110 = arith.constant 0 : index
      %swap3A_111 = vector.load %arg6[%swap3A_109, %swap3A_110] : memref<512x128xf32, #tpu.memory_space<vmem>>, vector<512x128xf32>
      tpu.vector_store %arg6[%swap3A_109, %swap3A_110], %broadcast_in_dim3A_108 {strides = array<i32>} : memref<512x128xf32, #tpu.memory_space<vmem>>, vector<512x128xf32>,
      %broadcast_in_dim3A_112 = arith.constant 0.000000e+00 : f32
      %broadcast_in_dim3A_113 = vector.broadcast %broadcast_in_dim3A_112 : f32 to vector<512x128xf32>
      %swap3A_114 = arith.constant 0 : index
      %swap3A_115 = arith.constant 0 : index
      %swap3A_116 = vector.load %arg7[%swap3A_114, %swap3A_115] : memref<512x128xf32, #tpu.memory_space<vmem>>, vector<512x128xf32>
      tpu.vector_store %arg7[%swap3A_114, %swap3A_115], %broadcast_in_dim3A_113 {strides = array<i32>} : memref<512x128xf32, #tpu.memory_space<vmem>>, vector<512x128xf32>,
    } else {
    }
    %get3A = arith.constant 0 : index
    %get3A_2 = arith.constant 0 : index
    %get3A_3 = vector.load %arg8[%get3A, %get3A_2] : memref<512x64xf32, #tpu.memory_space<vmem>>, vector<512x64xf32>
    %get3A_4 = arith.constant 0 : index
    %get3A_5 = arith.constant 0 : index
    %get3A_6 = vector.load %arg5[%get3A_4, %get3A_5] : memref<2048x64xf32, #tpu.memory_space<vmem>>, vector<2048x64xf32>
    %dot_general3A = arith.constant dense<0.000000e+00> : vector<512x2048xf32>
    %dot_general3A_7 = tpu.matmul %get3A_3, %get3A_6, %dot_general3A {dimension_numbers = #tpu.dot_dimension_numbers<[1], [1], [0], [0], [0, 0, 1, 0], [], []>, transpose_lhs_hint = false} : vector<512x64xf32>, vector<2048x64xf32>, vector<512x2048xf32> -> vector<512x2048xf32>
    %mul3A = arith.constant 1.250000e-01 : f32
    %mul3A_8 = vector.broadcast %mul3A : f32 to vector<512x2048xf32>
    %mul3A_9 = arith.mulf %dot_general3A_7, %mul3A_8 : vector<512x2048xf32>
    %iota3A = tpu.iota {dimensions = array<i32: 1>} : vector<512x2048xi32>
    %mul3A_10 = arith.constant 2048 : i32
    %mul3A_11 = arith.muli %arg1, %mul3A_10 : i32
    %add3A = vector.broadcast %mul3A_11 : i32 to vector<512x2048xi32>
    %add3A_12 = arith.addi %iota3A, %add3A : vector<512x2048xi32>
    %lt3A = arith.constant 100000 : i32
    %lt3A_13 = vector.broadcast %lt3A : i32 to vector<512x2048xi32>
    %lt3A_14 = arith.cmpi slt, %add3A_12, %lt3A_13 : vector<512x2048xi32>
    %jit3A = arith.constant 0xFF800000 : f32
    %broadcast_in_dim3A = vector.broadcast %jit3A : f32 to vector<512x2048xf32>
    %select_n3A = arith.select %lt3A_14, %mul3A_9, %broadcast_in_dim3A : vector<512x2048xi1>, vector<512x2048xf32>
    %convert_element_type3A_15 = arith.sitofp %add3A_12 : vector<512x2048xi32> to vector<512x2048xf32>
    %get3A_16 = arith.constant 0 : index
    %get3A_17 = arith.constant 0 : index
    %get3A_18 = vector.load %arg6[%get3A_16, %get3A_17] : memref<512x128xf32, #tpu.memory_space<vmem>>, vector<512x128xf32>
    %concatenate3A = tpu.concatenate %select_n3A, %get3A_18 in 1 : vector<512x2048xf32>, vector<512x128xf32> -> vector<512x2176xf32>
    %get3A_19 = arith.constant 0 : index
    %get3A_20 = arith.constant 0 : index
    %get3A_21 = vector.load %arg7[%get3A_19, %get3A_20] : memref<512x128xf32, #tpu.memory_space<vmem>>, vector<512x128xf32>
    %concatenate3A_22 = tpu.concatenate %convert_element_type3A_15, %get3A_21 in 1 : vector<512x2048xf32>, vector<512x128xf32> -> vector<512x2176xf32>
    %reduce_max3A = arith.constant dense<0xFF800000> : vector<512xf32>
    %reduce_max3A_23 = vector.multi_reduction <maximumf>, %concatenate3A, %reduce_max3A [1] : vector<512x2176xf32> to vector<512xf32>
    %broadcast_in_dim3A_24 = vector.shape_cast %reduce_max3A_23 : vector<512xf32> to vector<512x1xf32>
    %eq3A_25 = vector.broadcast %broadcast_in_dim3A_24 : vector<512x1xf32> to vector<512x2176xf32>
    %eq3A_26 = arith.cmpf oeq, %concatenate3A, %eq3A_25 : vector<512x2176xf32>
    %jit3A_27 = arith.constant 3.000000e+07 : f32
    %broadcast_in_dim3A_28 = vector.broadcast %jit3A_27 : f32 to vector<512x2176xf32>
    %select_n3A_29 = arith.select %eq3A_26, %concatenate3A_22, %broadcast_in_dim3A_28 : vector<512x2176xi1>, vector<512x2176xf32>
    %reduce_min3A = arith.constant dense<0x7F800000> : vector<512xf32>
    %reduce_min3A_30 = vector.multi_reduction <minimumf>, %select_n3A_29, %reduce_min3A [1] : vector<512x2176xf32> to vector<512xf32>
    %broadcast_in_dim3A_31 = vector.shape_cast %reduce_min3A_30 : vector<512xf32> to vector<512x1xf32>
    %eq3A_32 = vector.broadcast %broadcast_in_dim3A_31 : vector<512x1xf32> to vector<512x2176xf32>
    %eq3A_33 = arith.cmpf oeq, %concatenate3A_22, %eq3A_32 : vector<512x2176xf32>
    %jit3A_34 = arith.constant 0xFF800000 : f32
    %broadcast_in_dim3A_35 = vector.broadcast %jit3A_34 : f32 to vector<512x2176xf32>
    %select_n3A_36 = arith.select %eq3A_33, %broadcast_in_dim3A_35, %concatenate3A : vector<512x2176xi1>, vector<512x2176xf32>
    %reduce_max3A_37 = arith.constant dense<0xFF800000> : vector<512xf32>
    %reduce_max3A_38 = vector.multi_reduction <maximumf>, %select_n3A_36, %reduce_max3A_37 [1] : vector<512x2176xf32> to vector<512xf32>
    %broadcast_in_dim3A_39 = vector.shape_cast %reduce_max3A_38 : vector<512xf32> to vector<512x1xf32>
    %eq3A_40 = vector.broadcast %broadcast_in_dim3A_39 : vector<512x1xf32> to vector<512x2176xf32>
    %eq3A_41 = arith.cmpf oeq, %select_n3A_36, %eq3A_40 : vector<512x2176xf32>
    %jit3A_42 = arith.constant 3.000000e+07 : f32
    %broadcast_in_dim3A_43 = vector.broadcast %jit3A_42 : f32 to vector<512x2176xf32>
    %select_n3A_44 = arith.select %eq3A_41, %concatenate3A_22, %broadcast_in_dim3A_43 : vector<512x2176xi1>, vector<512x2176xf32>
    %reduce_min3A_45 = arith.constant dense<0x7F800000> : vector<512xf32>
    %reduce_min3A_46 = vector.multi_reduction <minimumf>, %select_n3A_44, %reduce_min3A_45 [1] : vector<512x2176xf32> to vector<512xf32>
    %broadcast_in_dim3A_47 = vector.shape_cast %reduce_min3A_46 : vector<512xf32> to vector<512x1xf32>
    %eq3A_48 = vector.broadcast %broadcast_in_dim3A_47 : vector<512x1xf32> to vector<512x2176xf32>
    %eq3A_49 = arith.cmpf oeq, %concatenate3A_22, %eq3A_48 : vector<512x2176xf32>
    %jit3A_50 = arith.constant 0xFF800000 : f32
    %broadcast_in_dim3A_51 = vector.broadcast %jit3A_50 : f32 to vector<512x2176xf32>
    %select_n3A_52 = arith.select %eq3A_49, %broadcast_in_dim3A_51, %select_n3A_36 : vector<512x2176xi1>, vector<512x2176xf32>
    %reduce_max3A_53 = arith.constant dense<0xFF800000> : vector<512xf32>
    %reduce_max3A_54 = vector.multi_reduction <maximumf>, %select_n3A_52, %reduce_max3A_53 [1] : vector<512x2176xf32> to vector<512xf32>
    %broadcast_in_dim3A_55 = vector.shape_cast %reduce_max3A_54 : vector<512xf32> to vector<512x1xf32>
    %eq3A_56 = vector.broadcast %broadcast_in_dim3A_55 : vector<512x1xf32> to vector<512x2176xf32>
    %eq3A_57 = arith.cmpf oeq, %select_n3A_52, %eq3A_56 : vector<512x2176xf32>
    %jit3A_58 = arith.constant 3.000000e+07 : f32
    %broadcast_in_dim3A_59 = vector.broadcast %jit3A_58 : f32 to vector<512x2176xf32>
    %select_n3A_60 = arith.select %eq3A_57, %concatenate3A_22, %broadcast_in_dim3A_59 : vector<512x2176xi1>, vector<512x2176xf32>
    %reduce_min3A_61 = arith.constant dense<0x7F800000> : vector<512xf32>
    %reduce_min3A_62 = vector.multi_reduction <minimumf>, %select_n3A_60, %reduce_min3A_61 [1] : vector<512x2176xf32> to vector<512xf32>
    %broadcast_in_dim3A_63 = vector.shape_cast %reduce_min3A_62 : vector<512xf32> to vector<512x1xf32>
    %eq3A_64 = vector.broadcast %broadcast_in_dim3A_63 : vector<512x1xf32> to vector<512x2176xf32>
    %eq3A_65 = arith.cmpf oeq, %concatenate3A_22, %eq3A_64 : vector<512x2176xf32>
    %jit3A_66 = arith.constant 0xFF800000 : f32
    %broadcast_in_dim3A_67 = vector.broadcast %jit3A_66 : f32 to vector<512x2176xf32>
    %select_n3A_68 = arith.select %eq3A_65, %broadcast_in_dim3A_67, %select_n3A_52 : vector<512x2176xi1>, vector<512x2176xf32>
    %reduce_max3A_69 = arith.constant dense<0xFF800000> : vector<512xf32>
    %reduce_max3A_70 = vector.multi_reduction <maximumf>, %select_n3A_68, %reduce_max3A_69 [1] : vector<512x2176xf32> to vector<512xf32>
    %broadcast_in_dim3A_71 = vector.shape_cast %reduce_max3A_70 : vector<512xf32> to vector<512x1xf32>
    %eq3A_72 = vector.broadcast %broadcast_in_dim3A_71 : vector<512x1xf32> to vector<512x2176xf32>
    %eq3A_73 = arith.cmpf oeq, %select_n3A_68, %eq3A_72 : vector<512x2176xf32>
    %jit3A_74 = arith.constant 3.000000e+07 : f32
    %broadcast_in_dim3A_75 = vector.broadcast %jit3A_74 : f32 to vector<512x2176xf32>
    %select_n3A_76 = arith.select %eq3A_73, %concatenate3A_22, %broadcast_in_dim3A_75 : vector<512x2176xi1>, vector<512x2176xf32>
    %reduce_min3A_77 = arith.constant dense<0x7F800000> : vector<512xf32>
    %reduce_min3A_78 = vector.multi_reduction <minimumf>, %select_n3A_76, %reduce_min3A_77 [1] : vector<512x2176xf32> to vector<512xf32>
    %broadcast_in_dim3A_79 = vector.shape_cast %reduce_min3A_78 : vector<512xf32> to vector<512x1xf32>
    %broadcast_in_dim3A_80 = arith.constant 0xFF800000 : f32
    %broadcast_in_dim3A_81 = vector.broadcast %broadcast_in_dim3A_80 : f32 to vector<512x124xf32>
    %broadcast_in_dim3A_82 = arith.constant 0.000000e+00 : f32
    %broadcast_in_dim3A_83 = vector.broadcast %broadcast_in_dim3A_82 : f32 to vector<512x124xf32>
    %concatenate3A_84 = tpu.concatenate %broadcast_in_dim3A_24, %broadcast_in_dim3A_39, %broadcast_in_dim3A_55, %broadcast_in_dim3A_71, %broadcast_in_dim3A_81 in 1 : vector<512x1xf32>, vector<512x1xf32>, vector<512x1xf32>, vector<512x1xf32>, vector<512x124xf32> -> vector<512x128xf32>
    %swap3A = arith.constant 0 : index
    %swap3A_85 = arith.constant 0 : index
    %swap3A_86 = vector.load %arg6[%swap3A, %swap3A_85] : memref<512x128xf32, #tpu.memory_space<vmem>>, vector<512x128xf32>
    tpu.vector_store %arg6[%swap3A, %swap3A_85], %concatenate3A_84 {strides = array<i32>} : memref<512x128xf32, #tpu.memory_space<vmem>>, vector<512x128xf32>,
    %concatenate3A_87 = tpu.concatenate %broadcast_in_dim3A_31, %broadcast_in_dim3A_47, %broadcast_in_dim3A_63, %broadcast_in_dim3A_79, %broadcast_in_dim3A_83 in 1 : vector<512x1xf32>, vector<512x1xf32>, vector<512x1xf32>, vector<512x1xf32>, vector<512x124xf32> -> vector<512x128xf32>
    %swap3A_88 = arith.constant 0 : index
    %swap3A_89 = arith.constant 0 : index
    %swap3A_90 = vector.load %arg7[%swap3A_88, %swap3A_89] : memref<512x128xf32, #tpu.memory_space<vmem>>, vector<512x128xf32>
    tpu.vector_store %arg7[%swap3A_88, %swap3A_89], %concatenate3A_87 {strides = array<i32>} : memref<512x128xf32, #tpu.memory_space<vmem>>, vector<512x128xf32>,
    %eq3A_91 = arith.constant 48 : i32
    %eq3A_92 = arith.cmpi eq, %arg1, %eq3A_91 : i32
    %convert_element_type3A_93 = arith.extui %eq3A_92 : i1 to i32
    %cond3A_94 = arith.constant 0 : i32
    %cond3A_95 = arith.cmpi ne, %convert_element_type3A_93, %cond3A_94 : i32
    scf.if %cond3A_95 {
      %get3A_96 = arith.constant 0 : index
      %get3A_97 = arith.constant 0 : index
      %get3A_98 = vector.load %arg6[%get3A_96, %get3A_97] : memref<512x128xf32, #tpu.memory_space<vmem>>, vector<512x128xf32>
      %reduce_max3A_99 = arith.constant dense<0xFF800000> : vector<512xf32>
      %reduce_max3A_100 = vector.multi_reduction <maximumf>, %get3A_98, %reduce_max3A_99 [1] : vector<512x128xf32> to vector<512xf32>
      %broadcast_in_dim3A_101 = vector.shape_cast %reduce_max3A_100 : vector<512xf32> to vector<512x1xf32>
      %sub3A = vector.broadcast %broadcast_in_dim3A_101 : vector<512x1xf32> to vector<512x128xf32>
      %sub3A_102 = arith.subf %get3A_98, %sub3A : vector<512x128xf32>
      %exp3A = math.exp %sub3A_102 : vector<512x128xf32>
      %reduce_sum3A = arith.constant dense<0.000000e+00> : vector<512xf32>
      %reduce_sum3A_103 = vector.multi_reduction <add>, %exp3A, %reduce_sum3A [1] : vector<512x128xf32> to vector<512xf32>
      %broadcast_in_dim3A_104 = vector.shape_cast %reduce_sum3A_103 : vector<512xf32> to vector<512x1xf32>
      %div3A = vector.broadcast %broadcast_in_dim3A_104 : vector<512x1xf32> to vector<512x128xf32>
      %div3A_105 = arith.divf %exp3A, %div3A : vector<512x128xf32>
      %get3A_106 = arith.constant 0 : index
      %get3A_107 = memref.load %arg2[%get3A_106] : memref<1xf32, #tpu.memory_space<smem>>
      %mul3A_108 = vector.broadcast %get3A_107 : f32 to vector<512x128xf32>
      %mul3A_109 = arith.mulf %div3A_105, %mul3A_108 : vector<512x128xf32>
      %swap3A_110 = arith.constant 0 : index
      %swap3A_111 = arith.constant 0 : index
      %swap3A_112 = vector.load %arg6[%swap3A_110, %swap3A_111] : memref<512x128xf32, #tpu.memory_space<vmem>>, vector<512x128xf32>
      tpu.vector_store %arg6[%swap3A_110, %swap3A_111], %mul3A_109 {strides = array<i32>} : memref<512x128xf32, #tpu.memory_space<vmem>>, vector<512x128xf32>,
    } else {
    }
    return
  }
  func.func @transform_0(%arg0: i32, %arg1: i32) -> i32 {
    %c0_i32 = arith.constant 0 : i32
    %c0_i32_0 = arith.constant 0 : i32
    return %c0_i32 : i32
  }
  func.func @transform_1(%arg0: i32, %arg1: i32) -> (i32, i32) {
    %c0_i32 = arith.constant 0 : i32
    %c0_i32_0 = arith.constant 0 : i32
    return %arg0, %c0_i32 : i32, i32
  }
  func.func @transform_2(%arg0: i32, %arg1: i32) -> (i32, i32) {
    %c0_i32 = arith.constant 0 : i32
    %c0_i32_0 = arith.constant 0 : i32
    %c0_i32_1 = arith.constant 0 : i32
    return %c0_i32, %c0_i32_0 : i32, i32
  }
  func.func @transform_3(%arg0: i32, %arg1: i32) -> (i32, i32) {
    %c0_i32 = arith.constant 0 : i32
    %c0_i32_0 = arith.constant 0 : i32
    return %arg1, %c0_i32 : i32, i32
  }
  func.func @transform_4(%arg0: i32, %arg1: i32) -> (i32, i32) {
    %c0_i32 = arith.constant 0 : i32
    %c0_i32_0 = arith.constant 0 : i32
    return %arg0, %c0_i32 : i32, i32
  }
  func.func @transform_5(%arg0: i32, %arg1: i32) -> (i32, i32) {
    %c0_i32 = arith.constant 0 : i32
    %c0_i32_0 = arith.constant 0 : i32
    return %arg0, %c0_i32 : i32, i32
  }
}

</mosaic_0001>

<sc_bundles>
// kernel: kernel.4.cloned.1.call-start
scs
__scs_entry_jumppad:
0x0: {  	(pc) =	sbr.rel $0x88, $3  }
0x1: {  	(tag) =	ssettag $0x0;
	lr =	simm.s32 $0x1  }
0x2: {  	[smem:$0x3F9C] =	sst lr;
	_ =	strace $0xD0000000  }
0x3: {  	_ = 	snop  }
0x4: {  	_ = 	snop  }
0x5: {  	_ = 	snop  }
0x6: {  	_ = 	snop  }
0x7: {  	_ = 	snop  }
__scs_overlays_trampoline_lowered:
0x8: {  	[smem:$0x3FAB] =	sst s0  }
0x9: {  	[smem:$0x3FAC] =	sst s1  }
0xa: {  	[smem:$0x3FAD] =	sst s2  }
0xb: {  	[smem:$0x3FAE] =	sst s3  }
0xc: {  	[smem:$0x3FAF] =	sst s4  }
0xd: {  	[smem:$0x3FB0] =	sst s5  }
0xe: {  	[smem:$0x3FB1] =	sst s6  }
0xf: {  	[smem:$0x3FB2] =	sst s7  }
0x10: {  	[smem:$0x3FB3] =	sst s8  }
0x11: {  	[smem:$0x3FB4] =	sst s9;
	s0 =	simm.s32 @!p0 $0x0  }
0x12: {  	s1 =	sld [smem:$0x3F9A];
	s0 =	simm.s32 @p0 $0x1  }
0x13: {  	[smem:$0x3FB5] =	sst s0;
	s0 =	simm.s32 @!p1 $0x0  }
0x14: {  	s2 =	sld [smem:$0x3F99];
	s0 =	simm.s32 @p1 $0x1  }
0x15: {  	[smem:$0x3FB6] =	sst s0;
	s0 =	simm.s32 @!p2 $0x0  }
0x16: {  	s3 =	sld [smem:$0x3FDB];
	s0 =	simm.s32 @p2 $0x1  }
0x17: {  	s4 =	simm.s32 $0x1BF5;
	[smem:$0x3FB8] =	sst s0  }
0x18: {  	s0 =	sld [smem:$0x3F9B];
	_ =	swait.ge [sflag:s4], $0x0  }
0x19: {  	s7 =	sld [smem:$0x3F9C]  }
0x1a: {  	s8 =	sadd.s32 $0xFFFFE003, lr  }
0x1b: {  	s9 =	sadd.s32 $0xFFFFFEF7, lr;
	s5 =	simm.s32 $0xFFFFFFFF;
	p2 =	slt.u32 s8, $0xFFFFF086  }
0x1c: {  	p1 =	slt.u32 s9, $0xF7A;
	s5 =	simm.s32 @!p2 $0x0  }
0x1d: {  	s5 =	simm.s32 @p1 $0x1;
	p0 =	seq.s32 s7, s2  }
0x1e: {  	s7 =	smul.u32 @!p0 $0xF7A, s2;
	p2 =	seq.s32 @!p0 s5, $0x0  }
0x1f: {  	s9 =	smul.u32 $0xF7A, s1;
	s8 =	simm.s32 @!p0 $0x1BF5;
	p2 =	por !p2, p0  }
0x20: {  	[sflag:s8] =	ssyncset.s32 @!p0 $0xFFFFF086;
	s6 =	sadd.s32 @!p0 s3, s7;
	s7 =	simm.s32 @!p0 $0x108  }
0x21: {  	s3 =	sadd.s32 s3, s9;
	s6 =	sadd.s32 @!p0 $0x88, s6;
	s7 =	simm.s32 @p2 $0x1082  }
0x22: {  	[simem:s7], [sflag:s8] =	dma.local @!p0 [hbm:s6], $0xF7A  }
0x23: {  	s9 =	sor.u32 $0xD0000000, s2;
	s6 =	simm.s32 $0x108;
	_ =	swait.ge @!p0 [sflag:s8], $0x0  }
0x24: {  	s3 =	sadd.s32 $0x88, s3;
	s6 =	simm.s32 @!p1 $0x1082;
	[sflag:s4] =	ssyncset.s32 $0xFFFFF086  }
0x25: {  	[simem:s6], [sflag:s4] =	dma.local [hbm:s3], $0xF7A  }
0x26: {  	[smem:$0x3F9C] =	sst s1;
	(tag) =	ssettag s2;
	_ =	strace s9  }
0x27: {  	s1 =	sld [smem:$0x3FAC]  }
0x28: {  	s2 =	sld [smem:$0x3FAD]  }
0x29: {  	s4 =	sld [smem:$0x3FAF]  }
0x2a: {  	p0 =	seq.s32 s5, $0x0;
	s5 =	sld [smem:$0x3FB0]  }
0x2b: {  	s6 =	sld [smem:$0x3FB1]  }
0x2c: {  	s7 =	sld [smem:$0x3FB2]  }
0x2d: {  	s3 =	simm.s32 $0x108;
	s8 =	sld [smem:$0x3FB3]  }
0x2e: {  	s3 =	simm.s32 @!p0 $0x1082;
	s9 =	sld [smem:$0x3FB4]  }
0x2f: {  	lr =	sadd.s32 s0, s3;
	s0 =	sld [smem:$0x3FAB]  }
0x30: {  	s3 =	sld [smem:$0x3FAE]  }
0x31: {  	[smem:$0x3FB7] =	sst s10  }
0x32: {  	s10 =	sld [smem:$0x3FB5];
	_ =	sdelay $0x3  }
0x33: {  	p0 =	seq.s32 s10, $0x1;
	s10 =	sld [smem:$0x3FB7];
	_ =	sdelay $0x3  }
0x34: {  	[smem:$0x3FB7] =	sst s10  }
0x35: {  	s10 =	sld [smem:$0x3FB6];
	_ =	sdelay $0x3  }
0x36: {  	p1 =	seq.s32 s10, $0x1;
	s10 =	sld [smem:$0x3FB7];
	_ =	sdelay $0x3  }
0x37: {  	[smem:$0x3FB7] =	sst s10  }
0x38: {  	s10 =	sld [smem:$0x3FB8]  }
0x39: {  	_ = 	snop;
	(pc) =	sbr.ind lr, $3  }
0x3a: {  	_ = 	snop  }
0x3b: {  	_ = 	snop  }
0x3c: {  	p2 =	seq.s32 s10, $0x1;
	s10 =	sld [smem:$0x3FB7]  }
0x3d: {  	_ =	shalt  }
0x3e: {  	_ =	shalt  }
0x3f: {  	_ =	shalt  }
0x40: {  	_ =	shalt  }
0x41: {  	_ =	shalt  }
0x42: {  	_ =	shalt  }
0x43: {  	_ =	shalt  }
0x44: {  	_ =	shalt  }
0x45: {  	_ =	shalt  }
0x46: {  	_ =	shalt  }
0x47: {  	_ =	shalt  }
0x48: {  	_ =	shalt  }
0x49: {  	_ =	shalt  }
0x4a: {  	_ =	shalt  }
0x4b: {  	_ =	shalt  }
0x4c: {  	_ =	shalt  }
0x4d: {  	_ =	shalt  }
0x4e: {  	_ =	shalt  }
0x4f: {  	_ =	shalt  }
0x50: {  	_ =	shalt  }
0x51: {  	_ =	shalt  }
0x52: {  	_ =	shalt  }
0x53: {  	_ =	shalt  }
0x54: {  	_ =	shalt  }
0x55: {  	_ =	shalt  }
0x56: {  	_ =	shalt  }
0x57: {  	_ =	shalt  }
0x58: {  	_ =	shalt  }
0x59: {  	_ =	shalt  }
0x5a: {  	_ =	shalt  }
0x5b: {  	_ =	shalt  }
0x5c: {  	_ =	shalt  }
0x5d: {  	_ =	shalt  }
0x5e: {  	_ =	shalt  }
0x5f: {  	_ =	shalt  }
0x60: {  	_ =	shalt  }
0x61: {  	_ =	shalt  }
0x62: {  	_ =	shalt  }
0x63: {  	_ =	shalt  }
0x64: {  	_ =	shalt  }
0x65: {  	_ =	shalt  }
0x66: {  	_ =	shalt  }
0x67: {  	_ =	shalt  }
0x68: {  	_ =	shalt  }
0x69: {  	_ =	shalt  }
0x6a: {  	_ =	shalt  }
0x6b: {  	_ =	shalt  }
0x6c: {  	_ =	shalt  }
0x6d: {  	_ =	shalt  }
0x6e: {  	_ =	shalt  }
0x6f: {  	_ =	shalt  }
0x70: {  	_ =	shalt  }
0x71: {  	_ =	shalt  }
0x72: {  	_ =	shalt  }
0x73: {  	_ =	shalt  }
0x74: {  	_ =	shalt  }
0x75: {  	_ =	shalt  }
0x76: {  	_ =	shalt  }
0x77: {  	_ =	shalt  }
0x78: {  	_ =	shalt  }
0x79: {  	_ =	shalt  }
0x7a: {  	_ =	shalt  }
0x7b: {  	_ =	shalt  }
0x7c: {  	_ =	shalt  }
0x7d: {  	_ =	shalt  }
0x7e: {  	_ =	shalt  }
0x7f: {  	_ =	shalt  }
0x80: {  	_ =	shalt  }
0x81: {  	_ =	shalt  }
0x82: {  	_ =	shalt  }
0x83: {  	_ =	shalt  }
0x84: {  	_ =	shalt  }
0x85: {  	_ =	shalt  }
0x86: {  	_ =	shalt  }
0x87: {  	_ =	shalt  }
.Lfunc_end0:
.L_simem_size_0:
called_computation_lowered:
.L_overlay_start_0:
0x88: {  	s2 =	sld [smem:$0x3FD9]  }
0x89: {  	s3 =	sld [smem:$0x3FFE];
	_ =	sdelay $0x1  }
0x8a: {  	s1 =	srdreg.scid  }
0x8b: {  	s0 =	sand.u32 $0x1, s1  }
0x8c: {  	s17 =	sshll.u32 s0, $0xA;
	s2 =	sadd.s32 s3, s2  }
0x8d: {  	s2 =	sadd.s32 s2, s17  }
0x8e: {  	[smem:$0x3FC3] =	sst s2  }
0x8f: {  	_ = 	snop  }
0x90: {  	s2 =	sld [smem:$0x3FC9]  }
0x91: {  	s18 =	sld [smem:$0x3FC7]  }
0x92: {  	s4 =	sld [smem:$0x3FD0];
	(tm) =	ssettm $0x1  }
0x93: {  	s5 =	sld [smem:$0x3FFB];
	_ =	sdelay $0x3  }
0x94: {  	_ =	strace s5  }
0x95: {  	s5 =	sld [smem:$0x3FFC];
	_ =	sdelay $0x3  }
0x96: {  	_ =	strace s5  }
0x97: {  	s5 =	sld [smem:$0x3FFD];
	_ =	sdelay $0x3  }
0x98: {  	_ =	strace s5  }
0x99: {  	_ =	strace $0x8FFFFFFF  }
0x9a: {  	s19 =	sld [smem:$0x3FDB];
	_ =	sdelay $0x1  }
0x9b: {  	s6 =	simm.s32 $_scs_section_size  }
0x9c: {  	s7 =	simm.s32 $_size__tile_overlayer_lowered;
	s8 =	simm.s32 $_tile_overlayer_lowered  }
0x9d: {  	s22 =	simm.s32 $0x1BFF;
	s21 =	sshll.u32 s8, $0x1;
	s5 =	sadd.s32 s6, s19  }
0x9e: {  	s9 =	simm.s32 $0x0;
	s20 =	sshll.u32 s7, $0x1;
	s7 =	sadd.s32 s21, s5  }
0x9f: {  	[timem:s9], [sflag:s22] =	dma.local [hbm:s7], s20  }
0xa0: {  	_ =	swait.ge [sflag:s22], s20  }
0xa1: {  	s6 =	ssub.s32 $0x0, s20;
	[sflag:s22] =	ssyncset.done $0x0  }
0xa2: {  	[sflag:s22] =	ssyncadd.s32 s6;
	_ =	sdelay $0x1  }
0xa3: {  	s23 =	simm.s32 $0x1B8B  }
0xa4: {  	_ =	swait.ge [sflag:s23], $0x1  }
0xa5: {  	[sflag:s23] =	ssyncset.done $0x0  }
0xa6: {  	s25 =	simm.s32 $0x1B8E;
	s24 =	sld [smem:$0x3FFE];
	[sflag:s23] =	ssyncadd.s32 $0xFFFFFFFF  }
0xa7: {  	s26 =	simm.s32 $execute0_lowered;
	[smem:$0x3FD2] =	sst s25  }
0xa8: {  	s7 =	sshll.u32 s26, $0x1;
	_ =	strace $0x80000046;
	[dreg:$0x1] =	wrdreg $0xFFFFFFFF  }
0xa9: {  	s28 =	simm.s32 $_size_execute0_lowered;
	s5 =	sadd.s32 s5, s7;
	[dreg:$0x0] =	wrdreg $0x0  }
0xaa: {  	s7 =	sshll.u32 s28, $0x1;
	[dreg:$0x2] =	wrdreg s5  }
0xab: {  	[dreg:$0x3] =	wrdreg s7  }
0xac: {  	[dreg:$0x4] =	wrdreg $0xC0  }
0xad: {  	_ =	task [dreg:s9], $0x5FFFF  }
0xae: {  	[dreg:$0x1] =	wrdreg $0xFFFFFFFF  }
0xaf: {  	[dreg:$0x0] =	wrdreg $0x60  }
0xb0: {  	[dreg:$0x2] =	wrdreg s18  }
0xb1: {  	[dreg:$0x3] =	wrdreg s2  }
0xb2: {  	[dreg:$0x4] =	wrdreg s24  }
0xb3: {  	[dreg:$0x5] =	wrdreg s4  }
0xb4: {  	[dreg:$0x6] =	wrdreg $0x9  }
0xb5: {  	_ =	task.clear_ibuf [dreg:s9], $0x7FFFF;
	_ =	strace $0x90000046  }
0xb6: {  	s29 =	simm.s32 $0x9;
	_ =	strace $0x80000048  }
0xb7: {  	_ =	swait.ge [sflag:s29], $0x1  }
0xb8: {  	[sflag:s29] =	ssyncadd.s32 $0xFFFFFFFF  }
0xb9: {  	_ =	strace $0x90000048  }
0xba: {  	_ =	sfence  }
0xbb: {  	s30 =	sld [smem:$0x0];
	_ =	sdelay $0x2  }
0xbc: {  	s31 =	sshll.u32 s1, $0xD;
	s1 =	sshrl.u32 s1, $0x2  }
0xbd: {  	s3 =	sand.u32 $0x4000, s31;
	s1 =	sadd.s32 s1, s30  }
0xbe: {  	s0 =	sor.u32 s3, s0;
	s1 =	sshll.u32 s1, $0x11  }
0xbf: {  	s0 =	sor.u32 s1, s0  }
0xc0: {  	s0 =	sadd.s32 $0x8F2B, s0  }
0xc1: {  	[sflag:s0] =	ssyncadd.remote.s32 $0x1  }
0xc2: {  	_ =	sfence.sel $0xFFFF  }
0xc3: {  	[dreg:$0x0] =	wrdreg $0xFFFFFFFF;
	(pc) =	sbr.abs _section_cstart, $3  }
0xc4: {  	[dreg:$0x1] =	wrdreg $0xFFFFFFFF  }
0xc5: {  	_ =	task.clear_ibuf [dreg:s9], $0x2FFFF;
	_ =	strace $0x9FFFFFFF  }
0xc6: {  	(tm) =	ssettm $0x7FFFFFFF  }
0xc7: {  	_ =	shalt  }
tec
execute0_lowered:
.L_overlay_start_1:
0x0: {  	(tag) =	ssettag $0x1  }
0x1: {  	s29 =	rddreg [dreg:$0x0]  }
0x2: {  	s30 =	rddreg [dreg:$0x1]  }
0x3: {  	s0 =	rddreg [dreg:$0x2];
	s1 =	simm.s32 $0x0  }
0x4: {  	[smem:$0x7FF] =	sst s1;
	s4 =	sadd.s32 $0x1800, s0;
	s0 =	sadd.s32 $0x1C00, s0  }
0x5: {  	s18 =	srdreg.scid;
	_ =	strace $0x80000047;
	[dreg:$0x6] =	wrdreg s0  }
0x6: {  	s3 =	stileid.u32;
	s21 =	sadd.s32 $0x100, s29;
	[dreg:$0x5] =	wrdreg s4  }
0x7: {  	s10 =	simm.s32 $0x200;
	s22 =	sadd.s32 $0x200, s29;
	[dreg:$0x9] =	wrdreg s21  }
0x8: {  	s11 =	simm.s32 $0x400;
	s23 =	sadd.s32 $0x300, s29;
	[dreg:$0xa] =	wrdreg s22  }
0x9: {  	s1 =	sand.u32 $0x1, s18;
	s24 =	sadd.s32 $0x400, s29;
	[dreg:$0xb] =	wrdreg s23  }
0xa: {  	s3 =	sshll.u32 s3, $0x1;
	s25 =	sadd.s32 $0x500, s29;
	[dreg:$0xc] =	wrdreg s24  }
0xb: {  	s26 =	sadd.s32 $0x600, s29;
	s28 =	sadd.s32 $0x700, s29;
	[dreg:$0xd] =	wrdreg s25  }
0xc: {  	s2 =	ssub.s32 $0x2, s1;
	s1 =	sor.u32 s1, s3;
	[dreg:$0xe] =	wrdreg s26  }
0xd: {  	[dreg:$0xf] =	wrdreg s28;
	s20 =	sshll.u32 s1, $0x6;
	s1 =	sshll.u32 s1, $0x5  }
0xe: {  	s19 =	sshrl.u32 s2, $0x1;
	s1 =	sadd.s32 s4, s1;
	[dreg:$0x7] =	wrdreg s20  }
0xf: {  	v2 =	vlaneseq.u32;
	s0 =	ssub.s32 s2, s19;
	s31 =	sor.u32 $0x8, s20;
	[dreg:$0x8] =	wrdreg s1  }
0x10: {  	s12 =	simm.s32 $0x10900;
	vm0 =	vmmov $0xffff;
	v1 =	vshrl.u32 v2, $0x3;
	[dreg:$0x10] =	wrdreg s31;
	s0 =	smax.u32 s0, $0x1  }
0x11: {  	v0 =	vand.u32 $0x7, v2;
	v2 =	vor.u32 $0x8, v2;
	v1 =	vmul.u32 $0x8, v1;
	s19 =	simm.s32 $0x3;
	s1 =	simm.s32 $0x0;
	[dreg:$0x11] =	wrdreg s0  }
.LBB2_1:
0x12: {  	[dreg:$0x12] =	wrdreg s1  }
0x13: {  	s0 =	simm.s32 $0x0;
	s7 =	rddreg [dreg:$0x8]  }
0x14: {  	[tilespmem:s0], [sflag:$0x3] =	stream.linear.gather [hbm4b:s7+s0], $0x10, $0x38;
	[tilespmem:$0x12900] =	vst v63  }
0x15: {  	_ =	swait.ge [sflag:s19], $0x10  }
0x16: {  	[sflag:s19] =	ssyncset.done $0x0  }
0x17: {  	[sflag:s19] =	ssyncadd.s32 $0xFFFFFFF0  }
0x18: {  	v3 =	vld [tilespmem:$0x0];
	_ =	sdelay $0x4  }
0x19: {  	v4 =	vshll.u32 v3, $0x4  }
0x1a: {  	v3 =	vand.u32 $0x7, v3;
	v4 =	vand.u32 $0xFFFFFF80, v4  }
0x1b: {  	v3 =	vor.u32 v3, v4  }
0x1c: {  	v4 =	vperm.xlane v3, v0;
	_ =	sdelay $0x1  }
0x1d: {  	v4 =	vadd.s32 v1, v4;
	_ =	sdelay $0x3  }
0x1e: {  	s8 =	simm.s32 $0x900  }
0x1f: {  	[tilespmem:s8], [sflag:$0x1] =	stream.indirect_vreg.gather [hbm4b:s29+s0], $0x80, v4, vm0, $0xb8;
	[tilespmem:$0x12900] =	vst v63  }
0x20: {  	s2 =	simm.s32 $0x1100;
	s9 =	rddreg [dreg:$0x9]  }
0x21: {  	[tilespmem:s2], [sflag:$0x1] =	stream.indirect_vreg.gather [hbm4b:s9+s0], $0x80, v4, vm0, $0xb8;
	[tilespmem:$0x12900] =	vst v63  }
0x22: {  	s3 =	simm.s32 $0x1900;
	s13 =	rddreg [dreg:$0xa]  }
0x23: {  	[tilespmem:s3], [sflag:$0x1] =	stream.indirect_vreg.gather [hbm4b:s13+s0], $0x80, v4, vm0, $0xb8;
	[tilespmem:$0x12900] =	vst v63  }
0x24: {  	s4 =	simm.s32 $0x2100;
	s14 =	rddreg [dreg:$0xb]  }
0x25: {  	[tilespmem:s4], [sflag:$0x1] =	stream.indirect_vreg.gather [hbm4b:s14+s0], $0x80, v4, vm0, $0xb8;
	[tilespmem:$0x12900] =	vst v63  }
0x26: {  	s5 =	simm.s32 $0x2900;
	s15 =	rddreg [dreg:$0xc]  }
0x27: {  	[tilespmem:s5], [sflag:$0x1] =	stream.indirect_vreg.gather [hbm4b:s15+s0], $0x80, v4, vm0, $0xb8;
	[tilespmem:$0x12900] =	vst v63  }
0x28: {  	s6 =	simm.s32 $0x3100;
	s16 =	rddreg [dreg:$0xd];
	v3 =	vperm.xlane v3, v2  }
0x29: {  	[tilespmem:s6], [sflag:$0x1] =	stream.indirect_vreg.gather [hbm4b:s16+s0], $0x80, v4, vm0, $0xb8;
	[tilespmem:$0x12900] =	vst v63  }
0x2a: {  	s7 =	simm.s32 $0x3900;
	s17 =	rddreg [dreg:$0xe];
	v3 =	vadd.s32 v1, v3  }
0x2b: {  	[tilespmem:s7], [sflag:$0x1] =	stream.indirect_vreg.gather [hbm4b:s17+s0], $0x80, v4, vm0, $0xb8;
	[tilespmem:$0x12900] =	vst v63  }
0x2c: {  	s18 =	rddreg [dreg:$0xf];
	s8 =	simm.s32 $0x4100  }
0x2d: {  	[tilespmem:s8], [sflag:$0x1] =	stream.indirect_vreg.gather [hbm4b:s18+s0], $0x80, v4, vm0, $0xb8;
	[tilespmem:$0x12900] =	vst v63  }
0x2e: {  	s20 =	simm.s32 $0x4900  }
0x2f: {  	[tilespmem:s20], [sflag:$0x1] =	stream.indirect_vreg.gather [hbm4b:s29+s0], $0x80, v3, vm0, $0xb8;
	[tilespmem:$0x12900] =	vst v63  }
0x30: {  	s21 =	simm.s32 $0x5100  }
0x31: {  	[tilespmem:s21], [sflag:$0x1] =	stream.indirect_vreg.gather [hbm4b:s9+s0], $0x80, v3, vm0, $0xb8;
	[tilespmem:$0x12900] =	vst v63  }
0x32: {  	s22 =	simm.s32 $0x5900  }
0x33: {  	[tilespmem:s22], [sflag:$0x1] =	stream.indirect_vreg.gather [hbm4b:s13+s0], $0x80, v3, vm0, $0xb8;
	[tilespmem:$0x12900] =	vst v63  }
0x34: {  	s23 =	simm.s32 $0x6100  }
0x35: {  	[tilespmem:s23], [sflag:$0x1] =	stream.indirect_vreg.gather [hbm4b:s14+s0], $0x80, v3, vm0, $0xb8;
	[tilespmem:$0x12900] =	vst v63  }
0x36: {  	s24 =	simm.s32 $0x6900  }
0x37: {  	[tilespmem:s24], [sflag:$0x1] =	stream.indirect_vreg.gather [hbm4b:s15+s0], $0x80, v3, vm0, $0xb8;
	[tilespmem:$0x12900] =	vst v63  }
0x38: {  	s25 =	simm.s32 $0x7100  }
0x39: {  	[tilespmem:s25], [sflag:$0x1] =	stream.indirect_vreg.gather [hbm4b:s16+s0], $0x80, v3, vm0, $0xb8;
	[tilespmem:$0x12900] =	vst v63  }
0x3a: {  	s26 =	simm.s32 $0x7900  }
0x3b: {  	[tilespmem:s26], [sflag:$0x1] =	stream.indirect_vreg.gather [hbm4b:s17+s0], $0x80, v3, vm0, $0xb8;
	[tilespmem:$0x12900] =	vst v63  }
0x3c: {  	s28 =	simm.s32 $0x8100;
	s31 =	simm.s32 $0x0  }
0x3d: {  	[tilespmem:s28], [sflag:$0x1] =	stream.indirect_vreg.gather [hbm4b:s18+s0], $0x80, v3, vm0, $0xb8;
	[tilespmem:$0x12900] =	vst v63  }
.LBB2_2:
0x3e: {  	s20 =	sshll.u32 s31, $0x3;
	s0 =	rddreg [dreg:$0x7]  }
0x3f: {  	s1 =	sor.u32 s20, s0  }
0x40: {  	s0 =	sor.u32 $0x4, s1  }
0x41: {  	s3 =	rddreg [dreg:$0x5];
	s2 =	sshrl.u32 s0, $0x1  }
0x42: {  	s21 =	simm.s32 $0x0;
	s13 =	simm.s32 $0x80;
	s2 =	sadd.s32 s3, s2  }
0x43: {  	[tilespmem:s13], [sflag:$0x3] =	stream.linear.gather [hbm4b:s2+s21], $0x10, $0x38;
	[tilespmem:$0x12900] =	vst v63  }
0x44: {  	_ =	swait.ge [sflag:s19], $0x10  }
0x45: {  	[sflag:s19] =	ssyncset.done $0x0  }
0x46: {  	[sflag:s19] =	ssyncadd.s32 $0xFFFFFFF0  }
0x47: {  	v3 =	vld [tilespmem:$0x80];
	_ =	sdelay $0x4  }
0x48: {  	v4 =	vshll.u32 v3, $0x4  }
0x49: {  	v3 =	vand.u32 $0x7, v3;
	v4 =	vand.u32 $0xFFFFFF80, v4  }
0x4a: {  	v3 =	vor.u32 v3, v4  }
0x4b: {  	v4 =	vperm.xlane v3, v0;
	_ =	sdelay $0x1  }
0x4c: {  	v4 =	vadd.s32 v1, v4;
	_ =	sdelay $0x3  }
0x4d: {  	s14 =	simm.s32 $0x8900  }
0x4e: {  	[tilespmem:s14], [sflag:$0x2] =	stream.indirect_vreg.gather [hbm4b:s29+s21], $0x80, v4, vm0, $0xb8;
	[tilespmem:$0x12900] =	vst v63  }
0x4f: {  	s16 =	simm.s32 $0x9100;
	s15 =	rddreg [dreg:$0x9]  }
0x50: {  	[tilespmem:s16], [sflag:$0x2] =	stream.indirect_vreg.gather [hbm4b:s15+s21], $0x80, v4, vm0, $0xb8;
	[tilespmem:$0x12900] =	vst v63  }
0x51: {  	s4 =	simm.s32 $0x9900;
	s17 =	rddreg [dreg:$0xa]  }
0x52: {  	[tilespmem:s4], [sflag:$0x2] =	stream.indirect_vreg.gather [hbm4b:s17+s21], $0x80, v4, vm0, $0xb8;
	[tilespmem:$0x12900] =	vst v63  }
0x53: {  	s5 =	simm.s32 $0xA100;
	s18 =	rddreg [dreg:$0xb]  }
0x54: {  	[tilespmem:s5], [sflag:$0x2] =	stream.indirect_vreg.gather [hbm4b:s18+s21], $0x80, v4, vm0, $0xb8;
	[tilespmem:$0x12900] =	vst v63  }
0x55: {  	s6 =	simm.s32 $0xA900;
	s22 =	rddreg [dreg:$0xc]  }
0x56: {  	[tilespmem:s6], [sflag:$0x2] =	stream.indirect_vreg.gather [hbm4b:s22+s21], $0x80, v4, vm0, $0xb8;
	[tilespmem:$0x12900] =	vst v63  }
0x57: {  	s7 =	simm.s32 $0xB100;
	s23 =	rddreg [dreg:$0xd];
	v3 =	vperm.xlane v3, v2  }
0x58: {  	[tilespmem:s7], [sflag:$0x2] =	stream.indirect_vreg.gather [hbm4b:s23+s21], $0x80, v4, vm0, $0xb8;
	[tilespmem:$0x12900] =	vst v63  }
0x59: {  	s8 =	simm.s32 $0xB900;
	s24 =	rddreg [dreg:$0xe];
	v3 =	vadd.s32 v1, v3  }
0x5a: {  	[tilespmem:s8], [sflag:$0x2] =	stream.indirect_vreg.gather [hbm4b:s24+s21], $0x80, v4, vm0, $0xb8;
	[tilespmem:$0x12900] =	vst v63  }
0x5b: {  	s9 =	simm.s32 $0xC100;
	s25 =	rddreg [dreg:$0xf]  }
0x5c: {  	[tilespmem:s9], [sflag:$0x2] =	stream.indirect_vreg.gather [hbm4b:s25+s21], $0x80, v4, vm0, $0xb8;
	[tilespmem:$0x12900] =	vst v63  }
0x5d: {  	s26 =	simm.s32 $0xC900  }
0x5e: {  	[tilespmem:s26], [sflag:$0x2] =	stream.indirect_vreg.gather [hbm4b:s29+s21], $0x80, v3, vm0, $0xb8;
	[tilespmem:$0x12900] =	vst v63  }
0x5f: {  	s28 =	simm.s32 $0xD100  }
0x60: {  	[tilespmem:s28], [sflag:$0x2] =	stream.indirect_vreg.gather [hbm4b:s15+s21], $0x80, v3, vm0, $0xb8;
	[tilespmem:$0x12900] =	vst v63  }
0x61: {  	s29 =	simm.s32 $0xD900  }
0x62: {  	[tilespmem:s29], [sflag:$0x2] =	stream.indirect_vreg.gather [hbm4b:s17+s21], $0x80, v3, vm0, $0xb8;
	[tilespmem:$0x12900] =	vst v63  }
0x63: {  	s3 =	simm.s32 $0xE100  }
0x64: {  	[tilespmem:s3], [sflag:$0x2] =	stream.indirect_vreg.gather [hbm4b:s18+s21], $0x80, v3, vm0, $0xb8;
	[tilespmem:$0x12900] =	vst v63  }
0x65: {  	s4 =	simm.s32 $0xE900  }
0x66: {  	[tilespmem:s4], [sflag:$0x2] =	stream.indirect_vreg.gather [hbm4b:s22+s21], $0x80, v3, vm0, $0xb8;
	[tilespmem:$0x12900] =	vst v63  }
0x67: {  	s5 =	simm.s32 $0xF100  }
0x68: {  	[tilespmem:s5], [sflag:$0x2] =	stream.indirect_vreg.gather [hbm4b:s23+s21], $0x80, v3, vm0, $0xb8;
	[tilespmem:$0x12900] =	vst v63  }
0x69: {  	s9 =	simm.s32 $0xF900  }
0x6a: {  	[tilespmem:s9], [sflag:$0x2] =	stream.indirect_vreg.gather [hbm4b:s24+s21], $0x80, v3, vm0, $0xb8;
	[tilespmem:$0x12900] =	vst v63  }
0x6b: {  	s13 =	simm.s32 $0x10100;
	s14 =	sshll.u32 s1, $0x6;
	s15 =	rddreg [dreg:$0x6]  }
0x6c: {  	[tilespmem:s13], [sflag:$0x2] =	stream.indirect_vreg.gather [hbm4b:s25+s21], $0x80, v3, vm0, $0xb8;
	[tilespmem:$0x12900] =	vst v63  }
0x6d: {  	s16 =	simm.s32 $0x100;
	s2 =	sadd.s32 s15, s14  }
0x6e: {  	[tilespmem:s16], [sflag:$0x3] =	stream.linear.gather [hbm4b:s2+s21], $0x800, $0x38;
	[tilespmem:$0x12900] =	vst v63  }
0x6f: {  	_ =	swait.ge [sflag:s19], $0x800  }
0x70: {  	s4 =	sshll.u32 s1, $0x8;
	[sflag:s19] =	ssyncset.done $0x0  }
0x71: {  	s1 =	sadd.s32 s30, s4;
	[sflag:s19] =	ssyncadd.s32 $0xFFFFF800  }
0x72: {  	[tilespmem:s12], [sflag:$0x3] =	stream.strided.gather [hbm4b:s1+s10], $0x2000, s11, s10, $0x38;
	[tilespmem:$0x12900] =	vst v63  }
0x73: {  	_ =	swait.ge [sflag:s19], $0x2000  }
0x74: {  	[sflag:s19] =	ssyncset.done $0x0  }
0x75: {  	s17 =	simm.s32 $0x1;
	[sflag:s19] =	ssyncadd.s32 $0xFFFFE000  }
0x76: {  	_ =	swait.ge [sflag:s17], $0x8000  }
0x77: {  	[sflag:s17] =	ssyncset.done $0x0  }
0x78: {  	[sflag:s17] =	ssyncadd.s32 $0xFFFF8000  }
0x79: {  	s18 =	simm.s32 $0x0;
	v3 =	vld [tilespmem:$0x100]  }
0x7a: {  	s22 =	sand.u32 $0x3FFFFC00, s18;
	v4 =	vld [tilespmem:$0x180]  }
0x7b: {  	s24 =	sand.u32 $0x60, s21;
	s1 =	sadd.s32 $0x900, s22;
	v5 =	vld [tilespmem:$0x200]  }
0x7c: {  	s7 =	sor.u32 s24, s1;
	v6 =	vld [tilespmem:$0x280]  }
0x7d: {  	v12 =	vld [tilespmem:s7+$0x0]  }
0x7e: {  	v13 =	vld [tilespmem:s7+$0x80]  }
0x7f: {  	v14 =	vld [tilespmem:s7+$0x100]  }
0x80: {  	v15 =	vld [tilespmem:s7+$0x180]  }
0x81: {  	v7 =	vld [tilespmem:$0x300]  }
0x82: {  	s8 =	simm.s32 $0x0;
	v8 =	vld [tilespmem:$0x380]  }
0x83: {  	s3 =	sand.u32 $0x3FFFFE00, s8;
	v9 =	vld [tilespmem:$0x400]  }
0x84: {  	s3 =	sadd.s32 $0x10900, s3;
	v10 =	vld [tilespmem:$0x480];
	v16 =	vmul.f32 v12, v3;
	v17 =	vmul.f32 v13, v4  }
0x85: {  	s9 =	sor.u32 s24, s3;
	v11 =	vld [tilespmem:$0x500];
	v14 =	vmul.f32 v14, v5;
	v15 =	vmul.f32 v15, v6  }
0x86: {  	v18 =	vld [tilespmem:s9+$0x0]  }
0x87: {  	v12 =	vld [tilespmem:$0x580];
	v16 =	vadd.f32 v17, v16;
	v17 =	vadd.f32 v15, v14  }
0x88: {  	v13 =	vld [tilespmem:$0x600]  }
0x89: {  	v14 =	vld [tilespmem:$0x680];
	v19 =	vadd.f32 v17, v16  }
0x8a: {  	v15 =	vld [tilespmem:$0x700]  }
0x8b: {  	v16 =	vld [tilespmem:$0x780];
	v19 =	vadd.f32 v19, v18  }
0x8c: {  	v17 =	vld [tilespmem:$0x800]  }
0x8d: {  	v18 =	vld [tilespmem:$0x880];
	[tilespmem:s9+$0x0] =	vst v19  }
0x8e: {  	v19 =	vld [tilespmem:s7+$0x380]  }
0x8f: {  	v20 =	vld [tilespmem:s7+$0x280]  }
0x90: {  	v21 =	vld [tilespmem:s7+$0x200]  }
0x91: {  	v22 =	vld [tilespmem:s7+$0x300];
	_ =	sdelay $0x3  }
0x92: {  	v20 =	vmul.f32 v20, v8;
	v21 =	vmul.f32 v21, v7  }
0x93: {  	v19 =	vmul.f32 v19, v10;
	v22 =	vmul.f32 v22, v9  }
0x94: {  	v23 =	vld [tilespmem:s9+$0x80]  }
0x95: {  	v20 =	vadd.f32 v20, v21;
	v19 =	vadd.f32 v19, v22;
	_ =	sdelay $0x1  }
0x96: {  	v19 =	vadd.f32 v19, v20;
	_ =	sdelay $0x1  }
0x97: {  	v19 =	vadd.f32 v19, v23  }
0x98: {  	s10 =	sadd.s32 $0x4A80, s22  }
0x99: {  	s23 =	sadd.s32 $0x4980, s22;
	s25 =	sor.u32 s24, s10;
	[tilespmem:s9+$0x80] =	vst v19  }
0x9a: {  	s26 =	sadd.s32 $0x4900, s22;
	s28 =	sor.u32 s24, s23;
	v19 =	vld [tilespmem:s25+$0x0]  }
0x9b: {  	s30 =	sadd.s32 $0x4A00, s22;
	s29 =	sor.u32 s24, s26;
	v20 =	vld [tilespmem:s28+$0x0]  }
0x9c: {  	s13 =	sor.u32 s24, s30;
	v21 =	vld [tilespmem:s29+$0x0]  }
0x9d: {  	v22 =	vld [tilespmem:s13+$0x0];
	_ =	sdelay $0x3  }
0x9e: {  	v20 =	vmul.f32 v20, v12;
	v19 =	vmul.f32 v19, v14  }
0x9f: {  	v21 =	vmul.f32 v21, v11;
	v22 =	vmul.f32 v22, v13  }
0xa0: {  	v23 =	vld [tilespmem:s9+$0x100]  }
0xa1: {  	v20 =	vadd.f32 v20, v21;
	v19 =	vadd.f32 v19, v22;
	_ =	sdelay $0x1  }
0xa2: {  	v19 =	vadd.f32 v19, v20;
	_ =	sdelay $0x1  }
0xa3: {  	v19 =	vadd.f32 v19, v23  }
0xa4: {  	s7 =	sadd.s32 $0x4C00, s22  }
0xa5: {  	s14 =	sadd.s32 $0x4B80, s22;
	s13 =	sor.u32 s24, s7;
	[tilespmem:s9+$0x100] =	vst v19  }
0xa6: {  	s15 =	sor.u32 s24, s14;
	s17 =	sadd.s32 $0x4B00, s22;
	v19 =	vld [tilespmem:s13+$0x0]  }
0xa7: {  	s5 =	sadd.s32 $0x4C80, s22;
	s16 =	sor.u32 s24, s17;
	v20 =	vld [tilespmem:s15+$0x0]  }
0xa8: {  	s18 =	sor.u32 s24, s5;
	v21 =	vld [tilespmem:s16+$0x0]  }
0xa9: {  	v22 =	vld [tilespmem:s18+$0x0];
	_ =	sdelay $0x3  }
0xaa: {  	v20 =	vmul.f32 v20, v16;
	v19 =	vmul.f32 v19, v17  }
0xab: {  	v21 =	vmul.f32 v21, v15;
	v22 =	vmul.f32 v22, v18  }
0xac: {  	v23 =	vld [tilespmem:s9+$0x180]  }
0xad: {  	v20 =	vadd.f32 v20, v21;
	v19 =	vadd.f32 v22, v19;
	_ =	sdelay $0x1  }
0xae: {  	v19 =	vadd.f32 v19, v20;
	_ =	sdelay $0x1  }
0xaf: {  	v19 =	vadd.f32 v19, v23  }
0xb0: {  	s2 =	sor.u32 $0x10, s24  }
0xb1: {  	s1 =	sor.u32 s2, s1;
	[tilespmem:s9+$0x180] =	vst v19  }
0xb2: {  	v19 =	vld [tilespmem:s1+$0x100]  }
0xb3: {  	v20 =	vld [tilespmem:s1+$0x0]  }
0xb4: {  	v21 =	vld [tilespmem:s1+$0x80]  }
0xb5: {  	v22 =	vld [tilespmem:s1+$0x180];
	_ =	sdelay $0x3  }
0xb6: {  	v21 =	vmul.f32 v21, v4;
	v19 =	vmul.f32 v19, v5  }
0xb7: {  	s24 =	sor.u32 s2, s3;
	v20 =	vmul.f32 v20, v3;
	v22 =	vmul.f32 v22, v6  }
0xb8: {  	v23 =	vld [tilespmem:s24+$0x0]  }
0xb9: {  	v20 =	vadd.f32 v21, v20;
	v19 =	vadd.f32 v22, v19;
	_ =	sdelay $0x1  }
0xba: {  	v19 =	vadd.f32 v19, v20;
	_ =	sdelay $0x1  }
0xbb: {  	v19 =	vadd.f32 v19, v23;
	_ =	sdelay $0x1  }
0xbc: {  	[tilespmem:s24+$0x0] =	vst v19  }
0xbd: {  	v19 =	vld [tilespmem:s1+$0x380]  }
0xbe: {  	v20 =	vld [tilespmem:s1+$0x280]  }
0xbf: {  	v21 =	vld [tilespmem:s1+$0x200]  }
0xc0: {  	v22 =	vld [tilespmem:s1+$0x300];
	_ =	sdelay $0x3  }
0xc1: {  	v20 =	vmul.f32 v20, v8;
	v21 =	vmul.f32 v21, v7  }
0xc2: {  	v22 =	vmul.f32 v22, v9;
	v19 =	vmul.f32 v19, v10  }
0xc3: {  	v23 =	vld [tilespmem:s24+$0x80]  }
0xc4: {  	v20 =	vadd.f32 v20, v21;
	v19 =	vadd.f32 v19, v22;
	_ =	sdelay $0x1  }
0xc5: {  	v19 =	vadd.f32 v19, v20;
	_ =	sdelay $0x1  }
0xc6: {  	v19 =	vadd.f32 v19, v23;
	_ =	sdelay $0x1  }
0xc7: {  	s22 =	sor.u32 s2, s23;
	[tilespmem:s24+$0x80] =	vst v19  }
0xc8: {  	s23 =	sor.u32 s2, s10;
	v19 =	vld [tilespmem:s22+$0x0]  }
0xc9: {  	s25 =	sor.u32 s2, s26;
	v20 =	vld [tilespmem:s23+$0x0]  }
0xca: {  	s26 =	sor.u32 s2, s30;
	v21 =	vld [tilespmem:s25+$0x0]  }
0xcb: {  	v22 =	vld [tilespmem:s26+$0x0];
	_ =	sdelay $0x3  }
0xcc: {  	v20 =	vmul.f32 v20, v14;
	v21 =	vmul.f32 v21, v11  }
0xcd: {  	v19 =	vmul.f32 v19, v12;
	v22 =	vmul.f32 v22, v13  }
0xce: {  	v23 =	vld [tilespmem:s24+$0x100]  }
0xcf: {  	v19 =	vadd.f32 v19, v21;
	v20 =	vadd.f32 v20, v22;
	_ =	sdelay $0x1  }
0xd0: {  	v19 =	vadd.f32 v20, v19;
	_ =	sdelay $0x1  }
0xd1: {  	v19 =	vadd.f32 v19, v23;
	_ =	sdelay $0x1  }
0xd2: {  	s28 =	sor.u32 s2, s5;
	[tilespmem:s24+$0x100] =	vst v19  }
0xd3: {  	s29 =	sor.u32 s2, s14;
	v19 =	vld [tilespmem:s28+$0x0]  }
0xd4: {  	s30 =	sor.u32 s2, s17;
	v20 =	vld [tilespmem:s29+$0x0]  }
0xd5: {  	s2 =	sor.u32 s2, s7;
	v21 =	vld [tilespmem:s30+$0x0]  }
0xd6: {  	v22 =	vld [tilespmem:s2+$0x0];
	_ =	sdelay $0x3  }
0xd7: {  	v20 =	vmul.f32 v20, v16;
	v23 =	vmul.f32 v19, v18  }
0xd8: {  	v21 =	vmul.f32 v21, v15;
	v22 =	vmul.f32 v22, v17  }
0xd9: {  	v19 =	vld [tilespmem:s24+$0x180]  }
0xda: {  	s22 =	simm.s32 $0x0;
	v20 =	vadd.f32 v20, v21;
	v21 =	vadd.f32 v23, v22  }
.LBB2_3:
0xdb: {  	_ = 	snop  }
0xdc: {  	s22 =	sadd.s32 $0x2, s22;
	s21 =	sadd.s32 $0x20, s21;
	v20 =	vadd.f32 v21, v20  }
0xdd: {  	s1 =	sshll.u32 s22, $0x7;
	s2 =	sshll.u32 s22, $0x6;
	p0 =	slt.u32 s22, $0x7E  }
0xde: {  	s3 =	sand.u32 $0x3FFFFC00, s1;
	s1 =	sand.u32 $0x3FFFFE00, s2;
	v19 =	vadd.f32 v20, v19  }
0xdf: {  	s2 =	sand.u32 $0x60, s21;
	s30 =	sadd.s32 $0x900, s3;
	s29 =	sadd.s32 $0x10900, s1  }
0xe0: {  	s5 =	sadd.s32 $0x4A80, s3;
	s13 =	sor.u32 s2, s30;
	s6 =	sor.u32 s2, s29;
	[tilespmem:s24+$0x180] =	vst v19  }
0xe1: {  	s8 =	sadd.s32 $0x4900, s3;
	s9 =	sadd.s32 $0x4980, s3;
	s10 =	sor.u32 s2, s5;
	v19 =	vld [tilespmem:s13+$0x0]  }
0xe2: {  	s18 =	sadd.s32 $0x4A00, s3;
	s28 =	sor.u32 s2, s8;
	s11 =	sor.u32 s2, s9;
	v20 =	vld [tilespmem:s13+$0x80]  }
0xe3: {  	s23 =	sadd.s32 $0x4B80, s3;
	s14 =	sadd.s32 $0x4C00, s3;
	s12 =	sor.u32 s2, s18;
	v21 =	vld [tilespmem:s13+$0x100]  }
0xe4: {  	s15 =	sadd.s32 $0x4B00, s3;
	s7 =	sor.u32 s2, s23;
	s25 =	sor.u32 s2, s14;
	v22 =	vld [tilespmem:s13+$0x180]  }
0xe5: {  	s16 =	sadd.s32 $0x4C80, s3;
	s1 =	sor.u32 s2, s15;
	s24 =	sor.u32 $0x10, s2  }
0xe6: {  	s26 =	sor.u32 s2, s16;
	s17 =	sor.u32 s24, s9;
	s3 =	sor.u32 s24, s5;
	v19 =	vmul.f32 v19, v3  }
0xe7: {  	s8 =	sor.u32 s24, s8;
	s2 =	sor.u32 s24, s18;
	s5 =	sor.u32 s24, s16;
	v20 =	vmul.f32 v20, v4  }
0xe8: {  	s9 =	sor.u32 s24, s15;
	s23 =	sor.u32 s24, s23;
	s18 =	sor.u32 s24, s14;
	v21 =	vmul.f32 v21, v5  }
0xe9: {  	v19 =	vadd.f32 v20, v19;
	v20 =	vmul.f32 v22, v6  }
0xea: {  	v22 =	vld [tilespmem:s6+$0x0]  }
0xeb: {  	v20 =	vadd.f32 v20, v21;
	_ =	sdelay $0x1  }
0xec: {  	v19 =	vadd.f32 v20, v19;
	_ =	sdelay $0x1  }
0xed: {  	v19 =	vadd.f32 v19, v22;
	_ =	sdelay $0x1  }
0xee: {  	[tilespmem:s6+$0x0] =	vst v19  }
0xef: {  	v19 =	vld [tilespmem:s13+$0x380]  }
0xf0: {  	v20 =	vld [tilespmem:s13+$0x280]  }
0xf1: {  	v21 =	vld [tilespmem:s13+$0x200]  }
0xf2: {  	v22 =	vld [tilespmem:s13+$0x300];
	_ =	sdelay $0x2  }
0xf3: {  	v20 =	vmul.f32 v20, v8  }
0xf4: {  	v19 =	vmul.f32 v19, v10;
	v21 =	vmul.f32 v21, v7  }
0xf5: {  	v22 =	vmul.f32 v22, v9  }
0xf6: {  	v20 =	vadd.f32 v20, v21;
	v21 =	vld [tilespmem:s6+$0x80]  }
0xf7: {  	v19 =	vadd.f32 v19, v22;
	_ =	sdelay $0x1  }
0xf8: {  	v19 =	vadd.f32 v19, v20;
	_ =	sdelay $0x1  }
0xf9: {  	v19 =	vadd.f32 v19, v21;
	_ =	sdelay $0x1  }
0xfa: {  	[tilespmem:s6+$0x80] =	vst v19  }
0xfb: {  	v19 =	vld [tilespmem:s10+$0x0]  }
0xfc: {  	v20 =	vld [tilespmem:s11+$0x0]  }
0xfd: {  	v21 =	vld [tilespmem:s28+$0x0]  }
0xfe: {  	v22 =	vld [tilespmem:s12+$0x0];
	_ =	sdelay $0x2  }
0xff: {  	v20 =	vmul.f32 v20, v12  }
0x100: {  	v19 =	vmul.f32 v19, v14  }
0x101: {  	v21 =	vmul.f32 v21, v11;
	v22 =	vmul.f32 v22, v13  }
0x102: {  	v23 =	vld [tilespmem:s6+$0x100]  }
0x103: {  	v20 =	vadd.f32 v20, v21;
	v19 =	vadd.f32 v19, v22;
	_ =	sdelay $0x1  }
0x104: {  	v19 =	vadd.f32 v19, v20;
	_ =	sdelay $0x1  }
0x105: {  	v19 =	vadd.f32 v19, v23;
	_ =	sdelay $0x1  }
0x106: {  	[tilespmem:s6+$0x100] =	vst v19  }
0x107: {  	v19 =	vld [tilespmem:s25+$0x0]  }
0x108: {  	v20 =	vld [tilespmem:s7+$0x0]  }
0x109: {  	v21 =	vld [tilespmem:s1+$0x0]  }
0x10a: {  	v22 =	vld [tilespmem:s26+$0x0];
	_ =	sdelay $0x2  }
0x10b: {  	v20 =	vmul.f32 v20, v16  }
0x10c: {  	v19 =	vmul.f32 v19, v17  }
0x10d: {  	v21 =	vmul.f32 v21, v15;
	v22 =	vmul.f32 v22, v18  }
0x10e: {  	v23 =	vld [tilespmem:s6+$0x180]  }
0x10f: {  	v20 =	vadd.f32 v20, v21;
	v19 =	vadd.f32 v22, v19;
	_ =	sdelay $0x1  }
0x110: {  	v19 =	vadd.f32 v19, v20;
	_ =	sdelay $0x1  }
0x111: {  	v19 =	vadd.f32 v19, v23;
	_ =	sdelay $0x1  }
0x112: {  	s1 =	sor.u32 s24, s30;
	[tilespmem:s6+$0x180] =	vst v19  }
0x113: {  	v19 =	vld [tilespmem:s1+$0x100]  }
0x114: {  	v20 =	vld [tilespmem:s1+$0x0]  }
0x115: {  	v21 =	vld [tilespmem:s1+$0x80]  }
0x116: {  	v22 =	vld [tilespmem:s1+$0x180];
	_ =	sdelay $0x3  }
0x117: {  	v19 =	vmul.f32 v19, v5;
	v21 =	vmul.f32 v21, v4  }
0x118: {  	s24 =	sor.u32 s24, s29;
	v20 =	vmul.f32 v20, v3;
	v22 =	vmul.f32 v22, v6  }
0x119: {  	v23 =	vld [tilespmem:s24+$0x0]  }
0x11a: {  	v20 =	vadd.f32 v21, v20;
	v19 =	vadd.f32 v22, v19;
	_ =	sdelay $0x1  }
0x11b: {  	v19 =	vadd.f32 v19, v20;
	_ =	sdelay $0x1  }
0x11c: {  	v19 =	vadd.f32 v19, v23;
	_ =	sdelay $0x1  }
0x11d: {  	[tilespmem:s24+$0x0] =	vst v19  }
0x11e: {  	v19 =	vld [tilespmem:s1+$0x380]  }
0x11f: {  	v20 =	vld [tilespmem:s1+$0x280]  }
0x120: {  	v21 =	vld [tilespmem:s1+$0x200]  }
0x121: {  	v22 =	vld [tilespmem:s1+$0x300];
	_ =	sdelay $0x2  }
0x122: {  	v20 =	vmul.f32 v20, v8  }
0x123: {  	v21 =	vmul.f32 v21, v7  }
0x124: {  	v19 =	vmul.f32 v19, v10;
	v22 =	vmul.f32 v22, v9  }
0x125: {  	v20 =	vadd.f32 v20, v21;
	v21 =	vld [tilespmem:s24+$0x80]  }
0x126: {  	v19 =	vadd.f32 v19, v22;
	_ =	sdelay $0x1  }
0x127: {  	v19 =	vadd.f32 v19, v20;
	_ =	sdelay $0x1  }
0x128: {  	v19 =	vadd.f32 v19, v21;
	_ =	sdelay $0x1  }
0x129: {  	[tilespmem:s24+$0x80] =	vst v19  }
0x12a: {  	v19 =	vld [tilespmem:s17+$0x0]  }
0x12b: {  	v20 =	vld [tilespmem:s3+$0x0]  }
0x12c: {  	v21 =	vld [tilespmem:s8+$0x0]  }
0x12d: {  	v22 =	vld [tilespmem:s2+$0x0];
	_ =	sdelay $0x2  }
0x12e: {  	v20 =	vmul.f32 v20, v14  }
0x12f: {  	v19 =	vmul.f32 v19, v12;
	v21 =	vmul.f32 v21, v11  }
0x130: {  	v22 =	vmul.f32 v22, v13  }
0x131: {  	v19 =	vadd.f32 v19, v21;
	v21 =	vld [tilespmem:s24+$0x100]  }
0x132: {  	v20 =	vadd.f32 v20, v22;
	_ =	sdelay $0x1  }
0x133: {  	v19 =	vadd.f32 v20, v19;
	_ =	sdelay $0x1  }
0x134: {  	v19 =	vadd.f32 v19, v21;
	_ =	sdelay $0x1  }
0x135: {  	[tilespmem:s24+$0x100] =	vst v19  }
0x136: {  	v19 =	vld [tilespmem:s5+$0x0]  }
0x137: {  	v20 =	vld [tilespmem:s23+$0x0]  }
0x138: {  	v21 =	vld [tilespmem:s9+$0x0]  }
0x139: {  	v22 =	vld [tilespmem:s18+$0x0];
	_ =	sdelay $0x2  }
.Ltmp0:
0x13a: {  	v23 =	vmul.f32 v19, v18;
	v20 =	vmul.f32 v20, v16;
	(pc) =	sbr.rel @p0 .LBB2_3-.Ltmp0, $4  }
0x13b: {  	v21 =	vmul.f32 v21, v15  }
0x13c: {  	v22 =	vmul.f32 v22, v17;
	v19 =	vld [tilespmem:s24+$0x180]  }
0x13d: {  	v20 =	vadd.f32 v20, v21  }
0x13e: {  	v21 =	vadd.f32 v23, v22  }
0x13f: {  	_ = 	snop  }
0x140: {  	v3 =	vadd.f32 v21, v20;
	_ =	sdelay $0x1  }
0x141: {  	v3 =	vadd.f32 v3, v19  }
0x142: {  	s1 =	rddreg [dreg:$0x3];
	s11 =	simm.s32 $0x200  }
0x143: {  	s12 =	simm.s32 $0x400;
	s13 =	simm.s32 $0x10900;
	s1 =	sadd.s32 s1, s4;
	[tilespmem:s24+$0x180] =	vst v3  }
0x144: {  	[hbm4b:s1+s11] =	stream.strided.scatter [tilespmem:s13], [sflag:$0x3], $0x2000, s12, s11, $0x38;
	[tilespmem:$0x12900] =	vst v63  }
0x145: {  	_ =	swait.ge [sflag:s19], $0x2000  }
0x146: {  	p0 =	seq.s32 s31, $0x7;
	s1 =	rddreg [dreg:$0x10]  }
0x147: {  	s1 =	sadd.s32 @!p0 s20, s1  }
0x148: {  	[sflag:s19] =	ssyncset.done $0x0;
	s2 =	rddreg [dreg:$0x5];
	s1 =	sshrl.u32 @!p0 s1, $0x1  }
0x149: {  	[sflag:s19] =	ssyncadd.s32 $0xFFFFE000;
	s1 =	sadd.s32 @!p0 s2, s1;
	s2 =	simm.s32 @!p0 $0x0  }
0x14a: {  	[tilespmem:s2], [sflag:$0x3] =	stream.linear.gather @!p0 [hbm4b:s1+s2], $0x10, $0x38;
	[tilespmem:$0x12900] =	vst v63  }
0x14b: {  	s1 =	simm.s32 @!p0 $0x3  }
0x14c: {  	_ =	swait.ge @!p0 [sflag:s1], $0x10  }
0x14d: {  	[sflag:s1] =	ssyncset.done @!p0 $0x0  }
0x14e: {  	[sflag:s1] =	ssyncadd.s32 @!p0 $0xFFFFFFF0  }
0x14f: {  	v3 =	vld @!p0 [tilespmem:$0x0];
	_ =	sdelay $0x4  }
0x150: {  	v4 =	vshll.u32 @!p0 v3, $0x4  }
0x151: {  	v5 =	vlaneseq.u32 @!p0;
	v3 =	vand.u32 @!p0 $0x7, v3;
	v4 =	vand.u32 @!p0 $0xFFFFFF80, v4  }
0x152: {  	v6 =	vshrl.u32 @!p0 v5, $0x3;
	v3 =	vor.u32 @!p0 v3, v4;
	v4 =	vand.u32 @!p0 $0x7, v5  }
0x153: {  	v6 =	vmul.u32 @!p0 $0x8, v6;
	v4 =	vperm.xlane @!p0 v3, v4;
	_ =	sdelay $0x1  }
0x154: {  	v4 =	vadd.s32 @!p0 v6, v4;
	_ =	sdelay $0x3  }
0x155: {  	vm1 =	vmmov @!p0 $0xffff;
	s1 =	simm.s32 @!p0 $0x900;
	s29 =	rddreg [dreg:$0x0]  }
0x156: {  	[tilespmem:s1], [sflag:$0x1] =	stream.indirect_vreg.gather @!p0 [hbm4b:s29+s2], $0x80, v4, vm1, $0xb8;
	[tilespmem:$0x12900] =	vst v63  }
0x157: {  	s3 =	rddreg [dreg:$0x9];
	s1 =	simm.s32 @!p0 $0x1100  }
0x158: {  	[tilespmem:s1], [sflag:$0x1] =	stream.indirect_vreg.gather @!p0 [hbm4b:s3+s2], $0x80, v4, vm1, $0xb8;
	[tilespmem:$0x12900] =	vst v63  }
0x159: {  	s5 =	rddreg [dreg:$0xa];
	s1 =	simm.s32 @!p0 $0x1900  }
0x15a: {  	[tilespmem:s1], [sflag:$0x1] =	stream.indirect_vreg.gather @!p0 [hbm4b:s5+s2], $0x80, v4, vm1, $0xb8;
	[tilespmem:$0x12900] =	vst v63  }
0x15b: {  	s6 =	rddreg [dreg:$0xb];
	s1 =	simm.s32 @!p0 $0x2100  }
0x15c: {  	[tilespmem:s1], [sflag:$0x1] =	stream.indirect_vreg.gather @!p0 [hbm4b:s6+s2], $0x80, v4, vm1, $0xb8;
	[tilespmem:$0x12900] =	vst v63  }
0x15d: {  	s7 =	rddreg [dreg:$0xc];
	s1 =	simm.s32 @!p0 $0x2900  }
0x15e: {  	v5 =	vor.u32 @!p0 $0x8, v5;
	[tilespmem:s1], [sflag:$0x1] =	stream.indirect_vreg.gather @!p0 [hbm4b:s7+s2], $0x80, v4, vm1, $0xb8;
	[tilespmem:$0x12900] =	vst v63  }
0x15f: {  	s8 =	rddreg [dreg:$0xd];
	v3 =	vperm.xlane @!p0 v3, v5;
	s1 =	simm.s32 @!p0 $0x3100  }
0x160: {  	[tilespmem:s1], [sflag:$0x1] =	stream.indirect_vreg.gather @!p0 [hbm4b:s8+s2], $0x80, v4, vm1, $0xb8;
	[tilespmem:$0x12900] =	vst v63  }
0x161: {  	s9 =	rddreg [dreg:$0xe];
	v3 =	vadd.s32 @!p0 v6, v3;
	s1 =	simm.s32 @!p0 $0x3900  }
0x162: {  	[tilespmem:s1], [sflag:$0x1] =	stream.indirect_vreg.gather @!p0 [hbm4b:s9+s2], $0x80, v4, vm1, $0xb8;
	[tilespmem:$0x12900] =	vst v63  }
0x163: {  	s10 =	rddreg [dreg:$0xf];
	s1 =	simm.s32 @!p0 $0x4100  }
0x164: {  	[tilespmem:s1], [sflag:$0x1] =	stream.indirect_vreg.gather @!p0 [hbm4b:s10+s2], $0x80, v4, vm1, $0xb8;
	[tilespmem:$0x12900] =	vst v63  }
0x165: {  	s1 =	simm.s32 @!p0 $0x4900  }
0x166: {  	[tilespmem:s1], [sflag:$0x1] =	stream.indirect_vreg.gather @!p0 [hbm4b:s29+s2], $0x80, v3, vm1, $0xb8;
	[tilespmem:$0x12900] =	vst v63  }
0x167: {  	s1 =	simm.s32 @!p0 $0x5100  }
0x168: {  	[tilespmem:s1], [sflag:$0x1] =	stream.indirect_vreg.gather @!p0 [hbm4b:s3+s2], $0x80, v3, vm1, $0xb8;
	[tilespmem:$0x12900] =	vst v63  }
0x169: {  	s1 =	simm.s32 @!p0 $0x5900  }
0x16a: {  	[tilespmem:s1], [sflag:$0x1] =	stream.indirect_vreg.gather @!p0 [hbm4b:s5+s2], $0x80, v3, vm1, $0xb8;
	[tilespmem:$0x12900] =	vst v63  }
0x16b: {  	s1 =	simm.s32 @!p0 $0x6100  }
0x16c: {  	[tilespmem:s1], [sflag:$0x1] =	stream.indirect_vreg.gather @!p0 [hbm4b:s6+s2], $0x80, v3, vm1, $0xb8;
	[tilespmem:$0x12900] =	vst v63  }
0x16d: {  	s1 =	simm.s32 @!p0 $0x6900  }
0x16e: {  	[tilespmem:s1], [sflag:$0x1] =	stream.indirect_vreg.gather @!p0 [hbm4b:s7+s2], $0x80, v3, vm1, $0xb8;
	[tilespmem:$0x12900] =	vst v63  }
0x16f: {  	s1 =	simm.s32 @!p0 $0x7100  }
0x170: {  	[tilespmem:s1], [sflag:$0x1] =	stream.indirect_vreg.gather @!p0 [hbm4b:s8+s2], $0x80, v3, vm1, $0xb8;
	[tilespmem:$0x12900] =	vst v63  }
0x171: {  	s1 =	simm.s32 @!p0 $0x7900  }
0x172: {  	[tilespmem:s1], [sflag:$0x1] =	stream.indirect_vreg.gather @!p0 [hbm4b:s9+s2], $0x80, v3, vm1, $0xb8;
	[tilespmem:$0x12900] =	vst v63  }
0x173: {  	s0 =	sshll.u32 s0, $0x6;
	s1 =	simm.s32 @!p0 $0x8100  }
0x174: {  	[tilespmem:s1], [sflag:$0x1] =	stream.indirect_vreg.gather @!p0 [hbm4b:s10+s2], $0x80, v3, vm1, $0xb8;
	[tilespmem:$0x12900] =	vst v63  }
0x175: {  	s0 =	sand.u32 $0x1FFFFF00, s0;
	s2 =	rddreg [dreg:$0x6]  }
0x176: {  	s20 =	simm.s32 $0x0;
	s3 =	simm.s32 $0x100;
	s0 =	sadd.s32 s2, s0  }
0x177: {  	[tilespmem:s3], [sflag:$0x3] =	stream.linear.gather [hbm4b:s0+s20], $0x800, $0x38;
	[tilespmem:$0x12900] =	vst v63  }
0x178: {  	_ =	swait.ge [sflag:s19], $0x800  }
0x179: {  	[sflag:s19] =	ssyncset.done $0x0  }
0x17a: {  	[sflag:s19] =	ssyncadd.s32 $0xFFFFF800  }
0x17b: {  	s0 =	sor.u32 $0x40, s4;
	s30 =	rddreg [dreg:$0x1]  }
0x17c: {  	s5 =	sadd.s32 s30, s0  }
0x17d: {  	[tilespmem:s13], [sflag:$0x3] =	stream.strided.gather [hbm4b:s5+s11], $0x2000, s12, s11, $0x38;
	[tilespmem:$0x12900] =	vst v63  }
0x17e: {  	_ =	swait.ge [sflag:s19], $0x2000  }
0x17f: {  	[sflag:s19] =	ssyncset.done $0x0  }
0x180: {  	s6 =	simm.s32 $0x2;
	[sflag:s19] =	ssyncadd.s32 $0xFFFFE000  }
0x181: {  	_ =	swait.ge [sflag:s6], $0x8000  }
0x182: {  	[sflag:s6] =	ssyncset.done $0x0  }
0x183: {  	[sflag:s6] =	ssyncadd.s32 $0xFFFF8000  }
0x184: {  	s7 =	simm.s32 $0x0;
	v3 =	vld [tilespmem:$0x100]  }
0x185: {  	s8 =	sand.u32 $0x3FFFFC00, s7;
	v4 =	vld [tilespmem:$0x180]  }
0x186: {  	s10 =	sand.u32 $0x60, s20;
	s1 =	sadd.s32 $0x8900, s8;
	v5 =	vld [tilespmem:$0x200]  }
0x187: {  	s16 =	sor.u32 s10, s1;
	v6 =	vld [tilespmem:$0x280]  }
0x188: {  	v12 =	vld [tilespmem:s16+$0x0]  }
0x189: {  	v13 =	vld [tilespmem:s16+$0x80]  }
0x18a: {  	v14 =	vld [tilespmem:s16+$0x100]  }
0x18b: {  	v15 =	vld [tilespmem:s16+$0x180]  }
0x18c: {  	v7 =	vld [tilespmem:$0x300]  }
0x18d: {  	s17 =	simm.s32 $0x0;
	v8 =	vld [tilespmem:$0x380]  }
0x18e: {  	s3 =	sand.u32 $0x3FFFFE00, s17;
	v9 =	vld [tilespmem:$0x400]  }
0x18f: {  	s3 =	sadd.s32 $0x10900, s3;
	v10 =	vld [tilespmem:$0x480];
	v16 =	vmul.f32 v12, v3;
	v17 =	vmul.f32 v13, v4  }
0x190: {  	s18 =	sor.u32 s10, s3;
	v11 =	vld [tilespmem:$0x500];
	v14 =	vmul.f32 v14, v5;
	v15 =	vmul.f32 v15, v6  }
0x191: {  	v18 =	vld [tilespmem:s18+$0x0]  }
0x192: {  	v12 =	vld [tilespmem:$0x580];
	v16 =	vadd.f32 v17, v16;
	v17 =	vadd.f32 v15, v14  }
0x193: {  	v13 =	vld [tilespmem:$0x600]  }
0x194: {  	v14 =	vld [tilespmem:$0x680];
	v19 =	vadd.f32 v17, v16  }
0x195: {  	v15 =	vld [tilespmem:$0x700]  }
0x196: {  	v16 =	vld [tilespmem:$0x780];
	v19 =	vadd.f32 v19, v18  }
0x197: {  	v17 =	vld [tilespmem:$0x800]  }
0x198: {  	v18 =	vld [tilespmem:$0x880];
	[tilespmem:s18+$0x0] =	vst v19  }
0x199: {  	v19 =	vld [tilespmem:s16+$0x380]  }
0x19a: {  	v20 =	vld [tilespmem:s16+$0x280]  }
0x19b: {  	v21 =	vld [tilespmem:s16+$0x200]  }
0x19c: {  	v22 =	vld [tilespmem:s16+$0x300];
	_ =	sdelay $0x3  }
0x19d: {  	v20 =	vmul.f32 v20, v8;
	v21 =	vmul.f32 v21, v7  }
0x19e: {  	v19 =	vmul.f32 v19, v10;
	v22 =	vmul.f32 v22, v9  }
0x19f: {  	v23 =	vld [tilespmem:s18+$0x80]  }
0x1a0: {  	v20 =	vadd.f32 v20, v21;
	v19 =	vadd.f32 v19, v22;
	_ =	sdelay $0x1  }
0x1a1: {  	v19 =	vadd.f32 v19, v20;
	_ =	sdelay $0x1  }
0x1a2: {  	v19 =	vadd.f32 v19, v23  }
0x1a3: {  	s5 =	sadd.s32 $0xCA80, s8  }
0x1a4: {  	s21 =	sadd.s32 $0xC980, s8;
	s7 =	sor.u32 s10, s5;
	[tilespmem:s18+$0x80] =	vst v19  }
0x1a5: {  	s9 =	sadd.s32 $0xC900, s8;
	s23 =	sor.u32 s10, s21;
	v19 =	vld [tilespmem:s7+$0x0]  }
0x1a6: {  	s25 =	sadd.s32 $0xCA00, s8;
	s24 =	sor.u32 s10, s9;
	v20 =	vld [tilespmem:s23+$0x0]  }
0x1a7: {  	s26 =	sor.u32 s10, s25;
	v21 =	vld [tilespmem:s24+$0x0]  }
0x1a8: {  	v22 =	vld [tilespmem:s26+$0x0];
	_ =	sdelay $0x3  }
0x1a9: {  	v20 =	vmul.f32 v20, v12;
	v19 =	vmul.f32 v19, v14  }
0x1aa: {  	v21 =	vmul.f32 v21, v11;
	v22 =	vmul.f32 v22, v13  }
0x1ab: {  	v23 =	vld [tilespmem:s18+$0x100]  }
0x1ac: {  	v20 =	vadd.f32 v20, v21;
	v19 =	vadd.f32 v19, v22;
	_ =	sdelay $0x1  }
0x1ad: {  	v19 =	vadd.f32 v19, v20;
	_ =	sdelay $0x1  }
0x1ae: {  	v19 =	vadd.f32 v19, v23  }
0x1af: {  	s6 =	sadd.s32 $0xCC00, s8  }
0x1b0: {  	s28 =	sadd.s32 $0xCB80, s8;
	s12 =	sor.u32 s10, s6;
	[tilespmem:s18+$0x100] =	vst v19  }
0x1b1: {  	s14 =	sadd.s32 $0xCB00, s8;
	s15 =	sor.u32 s10, s28;
	v19 =	vld [tilespmem:s12+$0x0]  }
0x1b2: {  	s4 =	sadd.s32 $0xCC80, s8;
	s16 =	sor.u32 s10, s14;
	v20 =	vld [tilespmem:s15+$0x0]  }
0x1b3: {  	s17 =	sor.u32 s10, s4;
	v21 =	vld [tilespmem:s16+$0x0]  }
0x1b4: {  	v22 =	vld [tilespmem:s17+$0x0];
	_ =	sdelay $0x3  }
0x1b5: {  	v20 =	vmul.f32 v20, v16;
	v19 =	vmul.f32 v19, v17  }
0x1b6: {  	v21 =	vmul.f32 v21, v15;
	v22 =	vmul.f32 v22, v18  }
0x1b7: {  	v23 =	vld [tilespmem:s18+$0x180]  }
0x1b8: {  	v20 =	vadd.f32 v20, v21;
	v19 =	vadd.f32 v22, v19;
	_ =	sdelay $0x1  }
0x1b9: {  	v19 =	vadd.f32 v19, v20;
	_ =	sdelay $0x1  }
0x1ba: {  	v19 =	vadd.f32 v19, v23  }
0x1bb: {  	s2 =	sor.u32 $0x10, s10  }
0x1bc: {  	s1 =	sor.u32 s2, s1;
	[tilespmem:s18+$0x180] =	vst v19  }
0x1bd: {  	v19 =	vld [tilespmem:s1+$0x100]  }
0x1be: {  	v20 =	vld [tilespmem:s1+$0x0]  }
0x1bf: {  	v21 =	vld [tilespmem:s1+$0x80]  }
0x1c0: {  	v22 =	vld [tilespmem:s1+$0x180];
	_ =	sdelay $0x3  }
0x1c1: {  	v21 =	vmul.f32 v21, v4;
	v19 =	vmul.f32 v19, v5  }
0x1c2: {  	s22 =	sor.u32 s2, s3;
	v20 =	vmul.f32 v20, v3;
	v22 =	vmul.f32 v22, v6  }
0x1c3: {  	v23 =	vld [tilespmem:s22+$0x0]  }
0x1c4: {  	v20 =	vadd.f32 v21, v20;
	v19 =	vadd.f32 v22, v19;
	_ =	sdelay $0x1  }
0x1c5: {  	v19 =	vadd.f32 v19, v20;
	_ =	sdelay $0x1  }
0x1c6: {  	v19 =	vadd.f32 v19, v23;
	_ =	sdelay $0x1  }
0x1c7: {  	[tilespmem:s22+$0x0] =	vst v19  }
0x1c8: {  	v19 =	vld [tilespmem:s1+$0x380]  }
0x1c9: {  	v20 =	vld [tilespmem:s1+$0x280]  }
0x1ca: {  	v21 =	vld [tilespmem:s1+$0x200]  }
0x1cb: {  	v22 =	vld [tilespmem:s1+$0x300];
	_ =	sdelay $0x3  }
0x1cc: {  	v20 =	vmul.f32 v20, v8;
	v21 =	vmul.f32 v21, v7  }
0x1cd: {  	v22 =	vmul.f32 v22, v9;
	v19 =	vmul.f32 v19, v10  }
0x1ce: {  	v23 =	vld [tilespmem:s22+$0x80]  }
0x1cf: {  	v20 =	vadd.f32 v20, v21;
	v19 =	vadd.f32 v19, v22;
	_ =	sdelay $0x1  }
0x1d0: {  	v19 =	vadd.f32 v19, v20;
	_ =	sdelay $0x1  }
0x1d1: {  	v19 =	vadd.f32 v19, v23;
	_ =	sdelay $0x1  }
0x1d2: {  	s18 =	sor.u32 s2, s21;
	[tilespmem:s22+$0x80] =	vst v19  }
0x1d3: {  	s21 =	sor.u32 s2, s5;
	v19 =	vld [tilespmem:s18+$0x0]  }
0x1d4: {  	s23 =	sor.u32 s2, s9;
	v20 =	vld [tilespmem:s21+$0x0]  }
0x1d5: {  	s24 =	sor.u32 s2, s25;
	v21 =	vld [tilespmem:s23+$0x0]  }
0x1d6: {  	v22 =	vld [tilespmem:s24+$0x0];
	_ =	sdelay $0x3  }
0x1d7: {  	v20 =	vmul.f32 v20, v14;
	v21 =	vmul.f32 v21, v11  }
0x1d8: {  	v19 =	vmul.f32 v19, v12;
	v22 =	vmul.f32 v22, v13  }
0x1d9: {  	v23 =	vld [tilespmem:s22+$0x100]  }
0x1da: {  	v19 =	vadd.f32 v19, v21;
	v20 =	vadd.f32 v20, v22;
	_ =	sdelay $0x1  }
0x1db: {  	v19 =	vadd.f32 v20, v19;
	_ =	sdelay $0x1  }
0x1dc: {  	v19 =	vadd.f32 v19, v23;
	_ =	sdelay $0x1  }
0x1dd: {  	s25 =	sor.u32 s2, s4;
	[tilespmem:s22+$0x100] =	vst v19  }
0x1de: {  	s26 =	sor.u32 s2, s28;
	v19 =	vld [tilespmem:s25+$0x0]  }
0x1df: {  	s28 =	sor.u32 s2, s14;
	v20 =	vld [tilespmem:s26+$0x0]  }
0x1e0: {  	s2 =	sor.u32 s2, s6;
	v21 =	vld [tilespmem:s28+$0x0]  }
0x1e1: {  	v22 =	vld [tilespmem:s2+$0x0];
	_ =	sdelay $0x3  }
0x1e2: {  	v20 =	vmul.f32 v20, v16;
	v23 =	vmul.f32 v19, v18  }
0x1e3: {  	v21 =	vmul.f32 v21, v15;
	v22 =	vmul.f32 v22, v17  }
0x1e4: {  	v19 =	vld [tilespmem:s22+$0x180]  }
0x1e5: {  	s31 =	sadd.s32 $0x1, s31;
	s4 =	simm.s32 $0x0;
	v20 =	vadd.f32 v20, v21;
	v21 =	vadd.f32 v23, v22  }
.LBB2_5:
0x1e6: {  	_ = 	snop  }
0x1e7: {  	s4 =	sadd.s32 $0x2, s4;
	s20 =	sadd.s32 $0x20, s20;
	v20 =	vadd.f32 v21, v20  }
0x1e8: {  	s1 =	sshll.u32 s4, $0x7;
	s2 =	sshll.u32 s4, $0x6;
	p0 =	slt.u32 s4, $0x7E  }
0x1e9: {  	s3 =	sand.u32 $0x3FFFFC00, s1;
	s1 =	sand.u32 $0x3FFFFE00, s2;
	v19 =	vadd.f32 v20, v19  }
0x1ea: {  	s2 =	sand.u32 $0x60, s20;
	s24 =	sadd.s32 $0x8900, s3;
	s23 =	sadd.s32 $0x10900, s1  }
0x1eb: {  	s5 =	sadd.s32 $0xCA80, s3;
	s13 =	sor.u32 s2, s24;
	s6 =	sor.u32 s2, s23;
	[tilespmem:s22+$0x180] =	vst v19  }
0x1ec: {  	s8 =	sadd.s32 $0xC900, s3;
	s9 =	sadd.s32 $0xC980, s3;
	s10 =	sor.u32 s2, s5;
	v19 =	vld [tilespmem:s13+$0x0]  }
0x1ed: {  	s14 =	sadd.s32 $0xCA00, s3;
	s28 =	sor.u32 s2, s8;
	s11 =	sor.u32 s2, s9;
	v20 =	vld [tilespmem:s13+$0x80]  }
0x1ee: {  	s15 =	sadd.s32 $0xCB80, s3;
	s16 =	sadd.s32 $0xCC00, s3;
	s12 =	sor.u32 s2, s14;
	v21 =	vld [tilespmem:s13+$0x100]  }
0x1ef: {  	s18 =	sadd.s32 $0xCB00, s3;
	s7 =	sor.u32 s2, s15;
	s25 =	sor.u32 s2, s16;
	v22 =	vld [tilespmem:s13+$0x180]  }
0x1f0: {  	s21 =	sadd.s32 $0xCC80, s3;
	s1 =	sor.u32 s2, s18;
	s22 =	sor.u32 $0x10, s2  }
0x1f1: {  	s26 =	sor.u32 s2, s21;
	s17 =	sor.u32 s22, s9;
	s3 =	sor.u32 s22, s5;
	v19 =	vmul.f32 v19, v3  }
0x1f2: {  	s8 =	sor.u32 s22, s8;
	s2 =	sor.u32 s22, s14;
	s5 =	sor.u32 s22, s21;
	v20 =	vmul.f32 v20, v4  }
0x1f3: {  	s9 =	sor.u32 s22, s18;
	s21 =	sor.u32 s22, s15;
	s18 =	sor.u32 s22, s16;
	v21 =	vmul.f32 v21, v5  }
0x1f4: {  	v19 =	vadd.f32 v20, v19;
	v20 =	vmul.f32 v22, v6  }
0x1f5: {  	v22 =	vld [tilespmem:s6+$0x0]  }
0x1f6: {  	v20 =	vadd.f32 v20, v21;
	_ =	sdelay $0x1  }
0x1f7: {  	v19 =	vadd.f32 v20, v19;
	_ =	sdelay $0x1  }
0x1f8: {  	v19 =	vadd.f32 v19, v22;
	_ =	sdelay $0x1  }
0x1f9: {  	[tilespmem:s6+$0x0] =	vst v19  }
0x1fa: {  	v19 =	vld [tilespmem:s13+$0x380]  }
0x1fb: {  	v20 =	vld [tilespmem:s13+$0x280]  }
0x1fc: {  	v21 =	vld [tilespmem:s13+$0x200]  }
0x1fd: {  	v22 =	vld [tilespmem:s13+$0x300];
	_ =	sdelay $0x2  }
0x1fe: {  	v20 =	vmul.f32 v20, v8  }
0x1ff: {  	v19 =	vmul.f32 v19, v10;
	v21 =	vmul.f32 v21, v7  }
0x200: {  	v22 =	vmul.f32 v22, v9  }
0x201: {  	v20 =	vadd.f32 v20, v21;
	v21 =	vld [tilespmem:s6+$0x80]  }
0x202: {  	v19 =	vadd.f32 v19, v22;
	_ =	sdelay $0x1  }
0x203: {  	v19 =	vadd.f32 v19, v20;
	_ =	sdelay $0x1  }
0x204: {  	v19 =	vadd.f32 v19, v21;
	_ =	sdelay $0x1  }
0x205: {  	[tilespmem:s6+$0x80] =	vst v19  }
0x206: {  	v19 =	vld [tilespmem:s10+$0x0]  }
0x207: {  	v20 =	vld [tilespmem:s11+$0x0]  }
0x208: {  	v21 =	vld [tilespmem:s28+$0x0]  }
0x209: {  	v22 =	vld [tilespmem:s12+$0x0];
	_ =	sdelay $0x2  }
0x20a: {  	v20 =	vmul.f32 v20, v12  }
0x20b: {  	v19 =	vmul.f32 v19, v14  }
0x20c: {  	v21 =	vmul.f32 v21, v11;
	v22 =	vmul.f32 v22, v13  }
0x20d: {  	v23 =	vld [tilespmem:s6+$0x100]  }
0x20e: {  	v20 =	vadd.f32 v20, v21;
	v19 =	vadd.f32 v19, v22;
	_ =	sdelay $0x1  }
0x20f: {  	v19 =	vadd.f32 v19, v20;
	_ =	sdelay $0x1  }
0x210: {  	v19 =	vadd.f32 v19, v23;
	_ =	sdelay $0x1  }
0x211: {  	[tilespmem:s6+$0x100] =	vst v19  }
0x212: {  	v19 =	vld [tilespmem:s25+$0x0]  }
0x213: {  	v20 =	vld [tilespmem:s7+$0x0]  }
0x214: {  	v21 =	vld [tilespmem:s1+$0x0]  }
0x215: {  	v22 =	vld [tilespmem:s26+$0x0];
	_ =	sdelay $0x2  }
0x216: {  	v20 =	vmul.f32 v20, v16  }
0x217: {  	v19 =	vmul.f32 v19, v17  }
0x218: {  	v21 =	vmul.f32 v21, v15;
	v22 =	vmul.f32 v22, v18  }
0x219: {  	v23 =	vld [tilespmem:s6+$0x180]  }
0x21a: {  	v20 =	vadd.f32 v20, v21;
	v19 =	vadd.f32 v22, v19;
	_ =	sdelay $0x1  }
0x21b: {  	v19 =	vadd.f32 v19, v20;
	_ =	sdelay $0x1  }
0x21c: {  	v19 =	vadd.f32 v19, v23;
	_ =	sdelay $0x1  }
0x21d: {  	s1 =	sor.u32 s22, s24;
	[tilespmem:s6+$0x180] =	vst v19  }
0x21e: {  	v19 =	vld [tilespmem:s1+$0x100]  }
0x21f: {  	v20 =	vld [tilespmem:s1+$0x0]  }
0x220: {  	v21 =	vld [tilespmem:s1+$0x80]  }
0x221: {  	v22 =	vld [tilespmem:s1+$0x180];
	_ =	sdelay $0x3  }
0x222: {  	v19 =	vmul.f32 v19, v5;
	v21 =	vmul.f32 v21, v4  }
0x223: {  	s22 =	sor.u32 s22, s23;
	v20 =	vmul.f32 v20, v3;
	v22 =	vmul.f32 v22, v6  }
0x224: {  	v23 =	vld [tilespmem:s22+$0x0]  }
0x225: {  	v20 =	vadd.f32 v21, v20;
	v19 =	vadd.f32 v22, v19;
	_ =	sdelay $0x1  }
0x226: {  	v19 =	vadd.f32 v19, v20;
	_ =	sdelay $0x1  }
0x227: {  	v19 =	vadd.f32 v19, v23;
	_ =	sdelay $0x1  }
0x228: {  	[tilespmem:s22+$0x0] =	vst v19  }
0x229: {  	v19 =	vld [tilespmem:s1+$0x380]  }
0x22a: {  	v20 =	vld [tilespmem:s1+$0x280]  }
0x22b: {  	v21 =	vld [tilespmem:s1+$0x200]  }
0x22c: {  	v22 =	vld [tilespmem:s1+$0x300];
	_ =	sdelay $0x2  }
0x22d: {  	v20 =	vmul.f32 v20, v8  }
0x22e: {  	v21 =	vmul.f32 v21, v7  }
0x22f: {  	v19 =	vmul.f32 v19, v10;
	v22 =	vmul.f32 v22, v9  }
0x230: {  	v20 =	vadd.f32 v20, v21;
	v21 =	vld [tilespmem:s22+$0x80]  }
0x231: {  	v19 =	vadd.f32 v19, v22;
	_ =	sdelay $0x1  }
0x232: {  	v19 =	vadd.f32 v19, v20;
	_ =	sdelay $0x1  }
0x233: {  	v19 =	vadd.f32 v19, v21;
	_ =	sdelay $0x1  }
0x234: {  	[tilespmem:s22+$0x80] =	vst v19  }
0x235: {  	v19 =	vld [tilespmem:s17+$0x0]  }
0x236: {  	v20 =	vld [tilespmem:s3+$0x0]  }
0x237: {  	v21 =	vld [tilespmem:s8+$0x0]  }
0x238: {  	v22 =	vld [tilespmem:s2+$0x0];
	_ =	sdelay $0x2  }
0x239: {  	v20 =	vmul.f32 v20, v14  }
0x23a: {  	v19 =	vmul.f32 v19, v12;
	v21 =	vmul.f32 v21, v11  }
0x23b: {  	v22 =	vmul.f32 v22, v13  }
0x23c: {  	v19 =	vadd.f32 v19, v21;
	v21 =	vld [tilespmem:s22+$0x100]  }
0x23d: {  	v20 =	vadd.f32 v20, v22;
	_ =	sdelay $0x1  }
0x23e: {  	v19 =	vadd.f32 v20, v19;
	_ =	sdelay $0x1  }
0x23f: {  	v19 =	vadd.f32 v19, v21;
	_ =	sdelay $0x1  }
0x240: {  	[tilespmem:s22+$0x100] =	vst v19  }
0x241: {  	v19 =	vld [tilespmem:s5+$0x0]  }
0x242: {  	v20 =	vld [tilespmem:s21+$0x0]  }
0x243: {  	v21 =	vld [tilespmem:s9+$0x0]  }
0x244: {  	v22 =	vld [tilespmem:s18+$0x0];
	_ =	sdelay $0x2  }
.Ltmp1:
0x245: {  	v23 =	vmul.f32 v19, v18;
	v20 =	vmul.f32 v20, v16;
	(pc) =	sbr.rel @p0 .LBB2_5-.Ltmp1, $4  }
0x246: {  	v21 =	vmul.f32 v21, v15  }
0x247: {  	v22 =	vmul.f32 v22, v17;
	v19 =	vld [tilespmem:s22+$0x180]  }
0x248: {  	v20 =	vadd.f32 v20, v21  }
0x249: {  	v21 =	vadd.f32 v23, v22  }
0x24a: {  	_ = 	snop  }
0x24b: {  	v3 =	vadd.f32 v21, v20;
	_ =	sdelay $0x1  }
0x24c: {  	s1 =	rddreg [dreg:$0x3];
	v3 =	vadd.f32 v3, v19  }
0x24d: {  	s10 =	simm.s32 $0x200;
	s11 =	simm.s32 $0x400;
	p0 =	sne.s32 s31, $0x8  }
.Ltmp2:
0x24e: {  	s12 =	simm.s32 $0x10900;
	s0 =	sadd.s32 s1, s0;
	[tilespmem:s22+$0x180] =	vst v3;
	(pc) =	sbr.rel @p0 .LBB2_2-.Ltmp2, $4  }
0x24f: {  	[hbm4b:s0+s10] =	stream.strided.scatter [tilespmem:s12], [sflag:$0x3], $0x2000, s11, s10, $0x38;
	[tilespmem:$0x12900] =	vst v63  }
0x250: {  	_ =	swait.ge [sflag:s19], $0x2000  }
0x251: {  	[sflag:s19] =	ssyncset.done $0x0  }
0x252: {  	[sflag:s19] =	ssyncadd.s32 $0xFFFFE000  }
0x253: {  	s1 =	rddreg [dreg:$0x12]  }
0x254: {  	s0 =	rddreg [dreg:$0x11];
	s1 =	sadd.s32 $0x1, s1  }
0x255: {  	p0 =	sne.s32 s1, s0  }
.Ltmp3:
0x256: {  	_ = 	snop;
	(pc) =	sbr.rel @p0 .LBB2_1-.Ltmp3, $1  }
0x257: {  	_ =	sdelay $0x3  }
0x258: {  	_ =	sfence.sel $0x180000  }
0x259: {  	[bflag:$0x0] =	sbarrier.arrive $0xFFFF  }
0x25a: {  	_ =	strace $0x90000047  }
0x25b: {  	s0 =	stileid.u32;
	[bflag:$0x2] =	sbarrier.arrive $0xFFFF  }
0x25c: {  	p0 =	sne.s32 s0, $0x0;
	s0 =	rddreg [dreg:$0x4]  }
0x25d: {  	s0 =	sadd.s32 @!p0 $0x100000, s0  }
0x25e: {  	[sflag:s0] =	ssyncadd.tile.s32 @!p0 $0x1;
	_ =	shalt  }
.Lfunc_end2:
_tile_overlayer_lowered:
.L_overlay_start_2:
0x25f: {  	(tag) =	ssettag $0x2  }
0x260: {  	s0 =	rddreg [dreg:$0x0];
	s2 =	stileid.u32  }
0x261: {  	s1 =	rddreg [dreg:$0x1];
	p0 =	sne.s32 s2, $0x0  }
0x262: {  	s3 =	rddreg [dreg:$0x2];
	[bflag:$0x3] =	sbarrier.arrive $0xFFFF;
	s2 =	simm.s32 @!p0 $0x1C03  }
0x263: {  	[timem:s3], [sflag:s2] =	dma.local @!p0 [hbm:s0], s1  }
0x264: {  	s0 =	simm.s32 @!p0 $0x3  }
0x265: {  	_ =	swait.ge @!p0 [sflag:s0], s1  }
0x266: {  	s1 =	ssub.s32 @!p0 $0x0, s1;
	[sflag:s0] =	ssyncset.done @!p0 $0x0  }
0x267: {  	[sflag:s0] =	ssyncadd.s32 @!p0 s1  }
0x268: {  	[bflag:$0x3] =	sbarrier.arrive $0xFFFF  }
0x269: {  	_ =	shalt  }

</sc_bundles>
